<compile_context>
chip_gen: v7x
topology: tpu7x:2x2x1
jax: 0.10.2.dev20260603
libtpu: 0.0.44.dev20260713+nightly
codegen_flags: <defaults>
</compile_context>

<pallas_src>
import jax
import jax.numpy as jnp
from jax import lax
from jax.experimental import pallas as pl
from jax.experimental.pallas import tpu as pltpu
from jax.experimental.pallas import tpu_sc as plsc

_NROWS = 970
_LANES = 16
_NCORES = 2
_NSUB = 16
_NWORK = _NCORES * _NSUB
_CHUNKS = (_NROWS + _LANES - 1) // _LANES
_NPAD = _CHUNKS * _LANES
_OUTW = 1024
_RB = 64
_GRID = -(-_NPAD // _RB)
_NEG = float(jnp.finfo(jnp.float32).min)


def _conv_body(b_sm, w_ref, x_ref, o_ref):
    xm = x_ref[...].reshape(_RB * 4, _NROWS)
    res = lax.dot_general(w_ref[...], xm, (((1,), (0,)), ((), ())),
                          preferred_element_type=jnp.float32)
    o_ref[:, pl.ds(0, _NROWS)] = res + b_sm[0, 0]
    o_ref[:, pl.ds(_NROWS, _OUTW - _NROWS)] = jnp.full(
        (_RB, _OUTW - _NROWS), _NEG, jnp.float32)


def _conv_tc(x, w32, b):
    return pl.pallas_call(
        _conv_body,
        grid=(_GRID,),
        in_specs=[
            pl.BlockSpec((1, 1), lambda i: (0, 0)),
            pl.BlockSpec((_RB, 4 * _RB), lambda i: (0, 0)),
            pl.BlockSpec((_RB, 4, _NROWS), lambda i: (i, 0, 0)),
        ],
        out_specs=pl.BlockSpec((_RB, _OUTW), lambda i: (i, 0)),
        out_shape=jax.ShapeDtypeStruct((_NPAD, _OUTW), jnp.float32),
    )(b.reshape(1, 1), w32,
      pltpu.with_memory_space_constraint(x, pltpu.MemorySpace.HBM))


def _topk_body(conv_hbm, out_hbm, rowbuf, stage):
    cid = lax.axis_index("c")
    sid = lax.axis_index("s")
    wid = sid * _NCORES + cid
    lane = lax.iota(jnp.int32, _LANES)

    nrows = jnp.where(wid < _NROWS - 30 * _NWORK, 31, 30)

    def merge_chunk(tv, ti, v, ci):
        cs, cis = plsc.sort_key_val(v, ci, descending=False)
        keep = (tv > cs) | ((tv == cs) & (ti < cis))
        nv = jnp.where(keep, tv, cs)
        ni = jnp.where(keep, ti, cis)
        return tuple(plsc.sort_key_val(nv, ni, descending=True))

    tv0 = jnp.full((_LANES,), _NEG, jnp.float32)
    ti0 = jnp.zeros((_LANES,), jnp.int32)

    def emit_row(row, ti):
        stage[...] = ti
        pltpu.sync_copy(stage, out_hbm.at[pl.ds(row * _LANES, _LANES)])

    def process_rows(tstart, k):
        rows = [wid + _NWORK * (tstart + i) for i in range(k)]
        for i, r in enumerate(rows):
            pltpu.sync_copy(conv_hbm.at[pl.ds(r * _OUTW, _NPAD)],
                            rowbuf.at[pl.ds(i * _NPAD, _NPAD)])

        def chunk_body(j, carry):
            base = j * _LANES
            ci = base + lane
            out = []
            for i in range(k):
                tv, ti = carry[2 * i], carry[2 * i + 1]
                v = rowbuf[pl.ds(i * _NPAD + base, _LANES)]
                out.extend(merge_chunk(tv, ti, v, ci))
            return tuple(out)

        res = lax.fori_loop(0, _CHUNKS, chunk_body, (tv0, ti0) * k)
        for i, r in enumerate(rows):
            emit_row(r, res[2 * i + 1])

    ngroups = nrows // 10
    rem = nrows - 10 * ngroups

    def group_body(p, _):
        process_rows(10 * p, 10)
        return 0

    lax.fori_loop(0, ngroups, group_body, 0)

    @pl.when(rem == 1)
    def _tail():
        process_rows(10 * ngroups, 1)


def _sc_topk(conv2):
    mesh = plsc.VectorSubcoreMesh(
        core_axis_name="c", subcore_axis_name="s",
        num_cores=_NCORES, num_subcores=_NSUB)
    return pl.kernel(
        _topk_body,
        out_type=jax.ShapeDtypeStruct((_NROWS * _LANES,), jnp.int32),
        mesh=mesh,
        scratch_types=[
            pltpu.VMEM((10 * _NPAD,), jnp.float32),
            pltpu.VMEM((_LANES,), jnp.int32),
        ],
        compiler_params=pltpu.CompilerParams(needs_layout_passes=False),
    )(conv2)


def kernel(upDown_count_T, W, b):
    w4 = W.reshape(4).astype(jnp.float32)
    w32 = (jnp.eye(_RB, dtype=jnp.float32)[:, :, None]
           * w4[None, None, :]).reshape(_RB, 4 * _RB)
    xT = jnp.transpose(upDown_count_T, (1, 0, 2))
    conv2 = _conv_tc(xT, w32, b.astype(jnp.float32))
    idx16 = _sc_topk(conv2.reshape(_NPAD * _OUTW)).reshape(_NROWS, _LANES)
    row_idx = idx16[:, 1:6].reshape(-1)
    col = jnp.repeat(jnp.arange(_NROWS, dtype=jnp.int32), 5)
    return jnp.stack([row_idx, col], axis=0)

# --- scband reference (transcript-rebuilt; emitter-appended) ---
"""Pipeline reference for scband-hedge-37958920962389 (READ-ONLY COPY).

The authoritative reference and input builder live on the scoring server;
editing this copy changes nothing except your own understanding.
"""

import jax, jax.numpy as jnp
import numpy as np

N = 970

def setup_inputs(seed: int = 0) -> dict:
    key = jax.random.key(seed)
    k1, k2, k3 = jax.random.split(key, 3)
    upDown_count_T = jax.random.normal(k1, (4, N, N), dtype=jnp.float32)
    # Conv2d(4, 1, kernel_size=1, bias=True) parameters
    W = jax.random.normal(k2, (1, 4, 1, 1), dtype=jnp.float32) * 0.5
    b = jax.random.normal(k3, (1,), dtype=jnp.float32) * 0.1
    return {"upDown_count_T": upDown_count_T, "W": W, "b": b}

def reference(upDown_count_T, W, b):
    # 1x1 Conv2d(4 -> 1) == weighted sum over channels + bias
    w = W.reshape(4)
    conv = jnp.einsum('c,chw->hw', w, upDown_count_T) + b[0]  # [970, 970]
    # topk(6, dim=1, largest=True); drop the top-1 (self), keep next 5
    top6vals, top6idx = jax.lax.top_k(conv, 6)
    row = top6idx[:, 1:].reshape(-1)                      # [4850] column indices of top-5 per row
    col = jnp.repeat(jnp.arange(N, dtype=row.dtype), 5)    # [4850] source row id repeated 5x
    # scipy coo_matrix((data,(row,col))) -> torch_geometric from_scipy_sparse_matrix
    # returns (edge_index, edge_weight); module returns edge_index = stack([row, col])
    edge_index = jnp.stack([row.astype(jnp.int32), col.astype(jnp.int32)], axis=0)  # [2, 4850]
    return edge_index

if __name__ == "__main__":
    import jax
    _d = setup_inputs()
    print(jax.jit(kernel)(*tuple(_d.values())))

</pallas_src>

<mosaic_0001>
#map = affine_map<(d0, d1) -> (0)>
module attributes {stable_mosaic.version = 14 : i64} {
  func.func @_topk_body(%arg0: i32, %arg1: i32, %arg2: memref<999424xf32, #tpu.memory_space<hbm>>, %arg3: memref<15520xi32, #tpu.memory_space<hbm>>, %arg4: memref<9760xf32, #tpu.memory_space<vmem>>, %arg5: memref<16xi32, #tpu.memory_space<vmem>>) attributes {dimension_semantics = [#tpu.dimension_semantics<core_parallel>, #tpu.dimension_semantics<subcore_parallel>], iteration_bounds = array<i64: 2, 16>, scalar_prefetch = 0 : i64, scratch_operands = 2 : i64, tpu.core_type = #tpu.core_type<sc_vector_subcore>, window_params = [{transform_indices = #map}, {transform_indices = #map}]} {
    %mul3A = arith.constant 2 : i32
    %mul3A_0 = arith.muli %arg1, %mul3A : i32
    %add3A = arith.addi %mul3A_0, %arg0 : i32
    %iota3A = tpu.iota {dimensions = array<i32: 0>} : vector<16xi32>
    %lt3A = arith.constant 10 : i32
    %lt3A_1 = arith.cmpi slt, %add3A, %lt3A : i32
    %jit3A = arith.constant 31 : i32
    %jit3A_2 = arith.constant 30 : i32
    %select_n3A = arith.select %lt3A_1, %jit3A, %jit3A_2 : i32
    %broadcast_in_dim3A = arith.constant -3.40282347E+38 : f32
    %broadcast_in_dim3A_3 = vector.broadcast %broadcast_in_dim3A : f32 to vector<16xf32>
    %broadcast_in_dim3A_4 = arith.constant 0 : i32
    %broadcast_in_dim3A_5 = vector.broadcast %broadcast_in_dim3A_4 : i32 to vector<16xi32>
    %jit3A_6 = arith.constant 10 : i32
    %div3A = arith.divsi %select_n3A, %jit3A_6 : i32
    %sign3A = arith.constant 0 : i32
    %sign3A_7 = arith.cmpi sgt, %select_n3A, %sign3A : i32
    %sign3A_8 = arith.extui %sign3A_7 : i1 to i32
    %sign3A_9 = arith.constant 0 : i32
    %sign3A_10 = arith.cmpi slt, %select_n3A, %sign3A_9 : i32
    %sign3A_11 = arith.extui %sign3A_10 : i1 to i32
    %sign3A_12 = arith.subi %sign3A_8, %sign3A_11 : i32
    %sign3A_13 = arith.constant 0 : i32
    %sign3A_14 = arith.cmpi sgt, %jit3A_6, %sign3A_13 : i32
    %sign3A_15 = arith.extui %sign3A_14 : i1 to i32
    %sign3A_16 = arith.constant 0 : i32
    %sign3A_17 = arith.cmpi slt, %jit3A_6, %sign3A_16 : i32
    %sign3A_18 = arith.extui %sign3A_17 : i1 to i32
    %sign3A_19 = arith.subi %sign3A_15, %sign3A_18 : i32
    %ne3A = arith.cmpi ne, %sign3A_12, %sign3A_19 : i32
    %rem3A = arith.remsi %select_n3A, %jit3A_6 : i32
    %ne3A_20 = arith.constant 0 : i32
    %ne3A_21 = arith.cmpi ne, %rem3A, %ne3A_20 : i32
    %and3A = arith.andi %ne3A, %ne3A_21 : i1
    %sub3A = arith.constant 1 : i32
    %sub3A_22 = arith.subi %div3A, %sub3A : i32
    %select_n3A_23 = arith.select %and3A, %sub3A_22, %div3A : i32
    %mul3A_24 = arith.constant 10 : i32
    %mul3A_25 = arith.muli %mul3A_24, %select_n3A_23 : i32
    %sub3A_26 = arith.subi %select_n3A, %mul3A_25 : i32
    %while3A = arith.constant 0 : i32
    %while3A_27 = arith.constant 0 : i32
    %while3A_28 = arith.subi %select_n3A_23, %while3A : i32
    %while3A_29 = arith.addi %while3A, %while3A_28 : i32
    %while3A_30 = arith.constant 1 : i32
    %while3A_31 = arith.divsi %while3A_28, %while3A_30 : i32
    %while3A_32 = arith.muli %while3A_31, %while3A_30 : i32
    %while3A_33 = arith.addi %while3A, %while3A_32 : i32
    %while3A_34 = arith.constant 1 : i32
    %while3A_35 = scf.for %while3A_40 = %while3A to %while3A_33 step %while3A_34 iter_args(%while3A_41 = %while3A_27) -> (i32)  : i32 {
      %mul3A_42 = arith.constant 10 : i32
      %mul3A_43 = arith.muli %mul3A_42, %while3A_40 : i32
      %add3A_44 = arith.constant 0 : i32
      %add3A_45 = arith.addi %mul3A_43, %add3A_44 : i32
      %mul3A_46 = arith.constant 32 : i32
      %mul3A_47 = arith.muli %mul3A_46, %add3A_45 : i32
      %add3A_48 = arith.addi %add3A, %mul3A_47 : i32
      %add3A_49 = arith.constant 1 : i32
      %add3A_50 = arith.addi %mul3A_43, %add3A_49 : i32
      %mul3A_51 = arith.constant 32 : i32
      %mul3A_52 = arith.muli %mul3A_51, %add3A_50 : i32
      %add3A_53 = arith.addi %add3A, %mul3A_52 : i32
      %add3A_54 = arith.constant 2 : i32
      %add3A_55 = arith.addi %mul3A_43, %add3A_54 : i32
      %mul3A_56 = arith.constant 32 : i32
      %mul3A_57 = arith.muli %mul3A_56, %add3A_55 : i32
      %add3A_58 = arith.addi %add3A, %mul3A_57 : i32
      %add3A_59 = arith.constant 3 : i32
      %add3A_60 = arith.addi %mul3A_43, %add3A_59 : i32
      %mul3A_61 = arith.constant 32 : i32
      %mul3A_62 = arith.muli %mul3A_61, %add3A_60 : i32
      %add3A_63 = arith.addi %add3A, %mul3A_62 : i32
      %add3A_64 = arith.constant 4 : i32
      %add3A_65 = arith.addi %mul3A_43, %add3A_64 : i32
      %mul3A_66 = arith.constant 32 : i32
      %mul3A_67 = arith.muli %mul3A_66, %add3A_65 : i32
      %add3A_68 = arith.addi %add3A, %mul3A_67 : i32
      %add3A_69 = arith.constant 5 : i32
      %add3A_70 = arith.addi %mul3A_43, %add3A_69 : i32
      %mul3A_71 = arith.constant 32 : i32
      %mul3A_72 = arith.muli %mul3A_71, %add3A_70 : i32
      %add3A_73 = arith.addi %add3A, %mul3A_72 : i32
      %add3A_74 = arith.constant 6 : i32
      %add3A_75 = arith.addi %mul3A_43, %add3A_74 : i32
      %mul3A_76 = arith.constant 32 : i32
      %mul3A_77 = arith.muli %mul3A_76, %add3A_75 : i32
      %add3A_78 = arith.addi %add3A, %mul3A_77 : i32
      %add3A_79 = arith.constant 7 : i32
      %add3A_80 = arith.addi %mul3A_43, %add3A_79 : i32
      %mul3A_81 = arith.constant 32 : i32
      %mul3A_82 = arith.muli %mul3A_81, %add3A_80 : i32
      %add3A_83 = arith.addi %add3A, %mul3A_82 : i32
      %add3A_84 = arith.constant 8 : i32
      %add3A_85 = arith.addi %mul3A_43, %add3A_84 : i32
      %mul3A_86 = arith.constant 32 : i32
      %mul3A_87 = arith.muli %mul3A_86, %add3A_85 : i32
      %add3A_88 = arith.addi %add3A, %mul3A_87 : i32
      %add3A_89 = arith.constant 9 : i32
      %add3A_90 = arith.addi %mul3A_43, %add3A_89 : i32
      %mul3A_91 = arith.constant 32 : i32
      %mul3A_92 = arith.muli %mul3A_91, %add3A_90 : i32
      %add3A_93 = arith.addi %add3A, %mul3A_92 : i32
      %mul3A_94 = arith.constant 1024 : i32
      %mul3A_95 = arith.muli %add3A_48, %mul3A_94 : i32
      "tpu.region"() ({
        %run_scoped3A = tpu.sem_alloc : memref<!tpu.dma_semaphore, #tpu.memory_space<semaphore_mem>>
        %dma_start3A = arith.constant 0 : i32
        %dma_start3A_159 = tpu.memref_slice %arg4[%dma_start3A] : memref<9760xf32, #tpu.memory_space<vmem>> -> memref<976xf32, #tpu.memory_space<vmem>>
        %dma_start3A_160 = tpu.memref_slice %arg2[%mul3A_95] : memref<999424xf32, #tpu.memory_space<hbm>> -> memref<976xf32, #tpu.memory_space<hbm>>
        %dma_start3A_161 = arith.constant 0 : i32
        %dma_start3A_162 = tpu.memref_slice %arg4[%dma_start3A_161] : memref<9760xf32, #tpu.memory_space<vmem>> -> memref<976xf32, #tpu.memory_space<vmem>>
        %dma_start3A_163 = tpu.memref_slice %arg2[%mul3A_95] : memref<999424xf32, #tpu.memory_space<hbm>> -> memref<976xf32, #tpu.memory_space<hbm>>
        tpu.enqueue_dma source(%dma_start3A_163 : memref<976xf32, #tpu.memory_space<hbm>>) target(%dma_start3A_162 : memref<976xf32, #tpu.memory_space<vmem>>) target_semaphore(%run_scoped3A : memref<!tpu.dma_semaphore, #tpu.memory_space<semaphore_mem>>)
        %dma_wait3A = arith.constant 0 : i32
        %dma_wait3A_164 = tpu.memref_slice %arg4[%dma_wait3A] : memref<9760xf32, #tpu.memory_space<vmem>> -> memref<976xf32, #tpu.memory_space<vmem>>
        %dma_wait3A_165 = tpu.memref_slice %arg2[%mul3A_95] : memref<999424xf32, #tpu.memory_space<hbm>> -> memref<976xf32, #tpu.memory_space<hbm>>
        %dma_wait3A_166 = arith.constant 0 : i32
        %dma_wait3A_167 = tpu.memref_slice %arg4[%dma_wait3A_166] : memref<9760xf32, #tpu.memory_space<vmem>> -> memref<976xf32, #tpu.memory_space<vmem>>
        %dma_wait3A_168 = tpu.memref_slice %arg2[%mul3A_95] : memref<999424xf32, #tpu.memory_space<hbm>> -> memref<976xf32, #tpu.memory_space<hbm>>
        tpu.wait_dma2 semaphore(%run_scoped3A : memref<!tpu.dma_semaphore, #tpu.memory_space<semaphore_mem>>) src(%dma_wait3A_168 : memref<976xf32, #tpu.memory_space<hbm>>) dst(%dma_wait3A_167 : memref<976xf32, #tpu.memory_space<vmem>>)
        tpu.yield
      }) : () -> ()
      %mul3A_96 = arith.constant 1024 : i32
      %mul3A_97 = arith.muli %add3A_53, %mul3A_96 : i32
      "tpu.region"() ({
        %run_scoped3A = tpu.sem_alloc : memref<!tpu.dma_semaphore, #tpu.memory_space<semaphore_mem>>
        %dma_start3A = arith.constant 976 : i32
        %dma_start3A_159 = tpu.memref_slice %arg4[%dma_start3A] : memref<9760xf32, #tpu.memory_space<vmem>> -> memref<976xf32, #tpu.memory_space<vmem>>
        %dma_start3A_160 = tpu.memref_slice %arg2[%mul3A_97] : memref<999424xf32, #tpu.memory_space<hbm>> -> memref<976xf32, #tpu.memory_space<hbm>>
        %dma_start3A_161 = arith.constant 976 : i32
        %dma_start3A_162 = tpu.memref_slice %arg4[%dma_start3A_161] : memref<9760xf32, #tpu.memory_space<vmem>> -> memref<976xf32, #tpu.memory_space<vmem>>
        %dma_start3A_163 = tpu.memref_slice %arg2[%mul3A_97] : memref<999424xf32, #tpu.memory_space<hbm>> -> memref<976xf32, #tpu.memory_space<hbm>>
        tpu.enqueue_dma source(%dma_start3A_163 : memref<976xf32, #tpu.memory_space<hbm>>) target(%dma_start3A_162 : memref<976xf32, #tpu.memory_space<vmem>>) target_semaphore(%run_scoped3A : memref<!tpu.dma_semaphore, #tpu.memory_space<semaphore_mem>>)
        %dma_wait3A = arith.constant 976 : i32
        %dma_wait3A_164 = tpu.memref_slice %arg4[%dma_wait3A] : memref<9760xf32, #tpu.memory_space<vmem>> -> memref<976xf32, #tpu.memory_space<vmem>>
        %dma_wait3A_165 = tpu.memref_slice %arg2[%mul3A_97] : memref<999424xf32, #tpu.memory_space<hbm>> -> memref<976xf32, #tpu.memory_space<hbm>>
        %dma_wait3A_166 = arith.constant 976 : i32
        %dma_wait3A_167 = tpu.memref_slice %arg4[%dma_wait3A_166] : memref<9760xf32, #tpu.memory_space<vmem>> -> memref<976xf32, #tpu.memory_space<vmem>>
        %dma_wait3A_168 = tpu.memref_slice %arg2[%mul3A_97] : memref<999424xf32, #tpu.memory_space<hbm>> -> memref<976xf32, #tpu.memory_space<hbm>>
        tpu.wait_dma2 semaphore(%run_scoped3A : memref<!tpu.dma_semaphore, #tpu.memory_space<semaphore_mem>>) src(%dma_wait3A_168 : memref<976xf32, #tpu.memory_space<hbm>>) dst(%dma_wait3A_167 : memref<976xf32, #tpu.memory_space<vmem>>)
        tpu.yield
      }) : () -> ()
      %mul3A_98 = arith.constant 1024 : i32
      %mul3A_99 = arith.muli %add3A_58, %mul3A_98 : i32
      "tpu.region"() ({
        %run_scoped3A = tpu.sem_alloc : memref<!tpu.dma_semaphore, #tpu.memory_space<semaphore_mem>>
        %dma_start3A = arith.constant 1952 : i32
        %dma_start3A_159 = tpu.memref_slice %arg4[%dma_start3A] : memref<9760xf32, #tpu.memory_space<vmem>> -> memref<976xf32, #tpu.memory_space<vmem>>
        %dma_start3A_160 = tpu.memref_slice %arg2[%mul3A_99] : memref<999424xf32, #tpu.memory_space<hbm>> -> memref<976xf32, #tpu.memory_space<hbm>>
        %dma_start3A_161 = arith.constant 1952 : i32
        %dma_start3A_162 = tpu.memref_slice %arg4[%dma_start3A_161] : memref<9760xf32, #tpu.memory_space<vmem>> -> memref<976xf32, #tpu.memory_space<vmem>>
        %dma_start3A_163 = tpu.memref_slice %arg2[%mul3A_99] : memref<999424xf32, #tpu.memory_space<hbm>> -> memref<976xf32, #tpu.memory_space<hbm>>
        tpu.enqueue_dma source(%dma_start3A_163 : memref<976xf32, #tpu.memory_space<hbm>>) target(%dma_start3A_162 : memref<976xf32, #tpu.memory_space<vmem>>) target_semaphore(%run_scoped3A : memref<!tpu.dma_semaphore, #tpu.memory_space<semaphore_mem>>)
        %dma_wait3A = arith.constant 1952 : i32
        %dma_wait3A_164 = tpu.memref_slice %arg4[%dma_wait3A] : memref<9760xf32, #tpu.memory_space<vmem>> -> memref<976xf32, #tpu.memory_space<vmem>>
        %dma_wait3A_165 = tpu.memref_slice %arg2[%mul3A_99] : memref<999424xf32, #tpu.memory_space<hbm>> -> memref<976xf32, #tpu.memory_space<hbm>>
        %dma_wait3A_166 = arith.constant 1952 : i32
        %dma_wait3A_167 = tpu.memref_slice %arg4[%dma_wait3A_166] : memref<9760xf32, #tpu.memory_space<vmem>> -> memref<976xf32, #tpu.memory_space<vmem>>
        %dma_wait3A_168 = tpu.memref_slice %arg2[%mul3A_99] : memref<999424xf32, #tpu.memory_space<hbm>> -> memref<976xf32, #tpu.memory_space<hbm>>
        tpu.wait_dma2 semaphore(%run_scoped3A : memref<!tpu.dma_semaphore, #tpu.memory_space<semaphore_mem>>) src(%dma_wait3A_168 : memref<976xf32, #tpu.memory_space<hbm>>) dst(%dma_wait3A_167 : memref<976xf32, #tpu.memory_space<vmem>>)
        tpu.yield
      }) : () -> ()
      %mul3A_100 = arith.constant 1024 : i32
      %mul3A_101 = arith.muli %add3A_63, %mul3A_100 : i32
      "tpu.region"() ({
        %run_scoped3A = tpu.sem_alloc : memref<!tpu.dma_semaphore, #tpu.memory_space<semaphore_mem>>
        %dma_start3A = arith.constant 2928 : i32
        %dma_start3A_159 = tpu.memref_slice %arg4[%dma_start3A] : memref<9760xf32, #tpu.memory_space<vmem>> -> memref<976xf32, #tpu.memory_space<vmem>>
        %dma_start3A_160 = tpu.memref_slice %arg2[%mul3A_101] : memref<999424xf32, #tpu.memory_space<hbm>> -> memref<976xf32, #tpu.memory_space<hbm>>
        %dma_start3A_161 = arith.constant 2928 : i32
        %dma_start3A_162 = tpu.memref_slice %arg4[%dma_start3A_161] : memref<9760xf32, #tpu.memory_space<vmem>> -> memref<976xf32, #tpu.memory_space<vmem>>
        %dma_start3A_163 = tpu.memref_slice %arg2[%mul3A_101] : memref<999424xf32, #tpu.memory_space<hbm>> -> memref<976xf32, #tpu.memory_space<hbm>>
        tpu.enqueue_dma source(%dma_start3A_163 : memref<976xf32, #tpu.memory_space<hbm>>) target(%dma_start3A_162 : memref<976xf32, #tpu.memory_space<vmem>>) target_semaphore(%run_scoped3A : memref<!tpu.dma_semaphore, #tpu.memory_space<semaphore_mem>>)
        %dma_wait3A = arith.constant 2928 : i32
        %dma_wait3A_164 = tpu.memref_slice %arg4[%dma_wait3A] : memref<9760xf32, #tpu.memory_space<vmem>> -> memref<976xf32, #tpu.memory_space<vmem>>
        %dma_wait3A_165 = tpu.memref_slice %arg2[%mul3A_101] : memref<999424xf32, #tpu.memory_space<hbm>> -> memref<976xf32, #tpu.memory_space<hbm>>
        %dma_wait3A_166 = arith.constant 2928 : i32
        %dma_wait3A_167 = tpu.memref_slice %arg4[%dma_wait3A_166] : memref<9760xf32, #tpu.memory_space<vmem>> -> memref<976xf32, #tpu.memory_space<vmem>>
        %dma_wait3A_168 = tpu.memref_slice %arg2[%mul3A_101] : memref<999424xf32, #tpu.memory_space<hbm>> -> memref<976xf32, #tpu.memory_space<hbm>>
        tpu.wait_dma2 semaphore(%run_scoped3A : memref<!tpu.dma_semaphore, #tpu.memory_space<semaphore_mem>>) src(%dma_wait3A_168 : memref<976xf32, #tpu.memory_space<hbm>>) dst(%dma_wait3A_167 : memref<976xf32, #tpu.memory_space<vmem>>)
        tpu.yield
      }) : () -> ()
      %mul3A_102 = arith.constant 1024 : i32
      %mul3A_103 = arith.muli %add3A_68, %mul3A_102 : i32
      "tpu.region"() ({
        %run_scoped3A = tpu.sem_alloc : memref<!tpu.dma_semaphore, #tpu.memory_space<semaphore_mem>>
        %dma_start3A = arith.constant 3904 : i32
        %dma_start3A_159 = tpu.memref_slice %arg4[%dma_start3A] : memref<9760xf32, #tpu.memory_space<vmem>> -> memref<976xf32, #tpu.memory_space<vmem>>
        %dma_start3A_160 = tpu.memref_slice %arg2[%mul3A_103] : memref<999424xf32, #tpu.memory_space<hbm>> -> memref<976xf32, #tpu.memory_space<hbm>>
        %dma_start3A_161 = arith.constant 3904 : i32
        %dma_start3A_162 = tpu.memref_slice %arg4[%dma_start3A_161] : memref<9760xf32, #tpu.memory_space<vmem>> -> memref<976xf32, #tpu.memory_space<vmem>>
        %dma_start3A_163 = tpu.memref_slice %arg2[%mul3A_103] : memref<999424xf32, #tpu.memory_space<hbm>> -> memref<976xf32, #tpu.memory_space<hbm>>
        tpu.enqueue_dma source(%dma_start3A_163 : memref<976xf32, #tpu.memory_space<hbm>>) target(%dma_start3A_162 : memref<976xf32, #tpu.memory_space<vmem>>) target_semaphore(%run_scoped3A : memref<!tpu.dma_semaphore, #tpu.memory_space<semaphore_mem>>)
        %dma_wait3A = arith.constant 3904 : i32
        %dma_wait3A_164 = tpu.memref_slice %arg4[%dma_wait3A] : memref<9760xf32, #tpu.memory_space<vmem>> -> memref<976xf32, #tpu.memory_space<vmem>>
        %dma_wait3A_165 = tpu.memref_slice %arg2[%mul3A_103] : memref<999424xf32, #tpu.memory_space<hbm>> -> memref<976xf32, #tpu.memory_space<hbm>>
        %dma_wait3A_166 = arith.constant 3904 : i32
        %dma_wait3A_167 = tpu.memref_slice %arg4[%dma_wait3A_166] : memref<9760xf32, #tpu.memory_space<vmem>> -> memref<976xf32, #tpu.memory_space<vmem>>
        %dma_wait3A_168 = tpu.memref_slice %arg2[%mul3A_103] : memref<999424xf32, #tpu.memory_space<hbm>> -> memref<976xf32, #tpu.memory_space<hbm>>
        tpu.wait_dma2 semaphore(%run_scoped3A : memref<!tpu.dma_semaphore, #tpu.memory_space<semaphore_mem>>) src(%dma_wait3A_168 : memref<976xf32, #tpu.memory_space<hbm>>) dst(%dma_wait3A_167 : memref<976xf32, #tpu.memory_space<vmem>>)
        tpu.yield
      }) : () -> ()
      %mul3A_104 = arith.constant 1024 : i32
      %mul3A_105 = arith.muli %add3A_73, %mul3A_104 : i32
      "tpu.region"() ({
        %run_scoped3A = tpu.sem_alloc : memref<!tpu.dma_semaphore, #tpu.memory_space<semaphore_mem>>
        %dma_start3A = arith.constant 4880 : i32
        %dma_start3A_159 = tpu.memref_slice %arg4[%dma_start3A] : memref<9760xf32, #tpu.memory_space<vmem>> -> memref<976xf32, #tpu.memory_space<vmem>>
        %dma_start3A_160 = tpu.memref_slice %arg2[%mul3A_105] : memref<999424xf32, #tpu.memory_space<hbm>> -> memref<976xf32, #tpu.memory_space<hbm>>
        %dma_start3A_161 = arith.constant 4880 : i32
        %dma_start3A_162 = tpu.memref_slice %arg4[%dma_start3A_161] : memref<9760xf32, #tpu.memory_space<vmem>> -> memref<976xf32, #tpu.memory_space<vmem>>
        %dma_start3A_163 = tpu.memref_slice %arg2[%mul3A_105] : memref<999424xf32, #tpu.memory_space<hbm>> -> memref<976xf32, #tpu.memory_space<hbm>>
        tpu.enqueue_dma source(%dma_start3A_163 : memref<976xf32, #tpu.memory_space<hbm>>) target(%dma_start3A_162 : memref<976xf32, #tpu.memory_space<vmem>>) target_semaphore(%run_scoped3A : memref<!tpu.dma_semaphore, #tpu.memory_space<semaphore_mem>>)
        %dma_wait3A = arith.constant 4880 : i32
        %dma_wait3A_164 = tpu.memref_slice %arg4[%dma_wait3A] : memref<9760xf32, #tpu.memory_space<vmem>> -> memref<976xf32, #tpu.memory_space<vmem>>
        %dma_wait3A_165 = tpu.memref_slice %arg2[%mul3A_105] : memref<999424xf32, #tpu.memory_space<hbm>> -> memref<976xf32, #tpu.memory_space<hbm>>
        %dma_wait3A_166 = arith.constant 4880 : i32
        %dma_wait3A_167 = tpu.memref_slice %arg4[%dma_wait3A_166] : memref<9760xf32, #tpu.memory_space<vmem>> -> memref<976xf32, #tpu.memory_space<vmem>>
        %dma_wait3A_168 = tpu.memref_slice %arg2[%mul3A_105] : memref<999424xf32, #tpu.memory_space<hbm>> -> memref<976xf32, #tpu.memory_space<hbm>>
        tpu.wait_dma2 semaphore(%run_scoped3A : memref<!tpu.dma_semaphore, #tpu.memory_space<semaphore_mem>>) src(%dma_wait3A_168 : memref<976xf32, #tpu.memory_space<hbm>>) dst(%dma_wait3A_167 : memref<976xf32, #tpu.memory_space<vmem>>)
        tpu.yield
      }) : () -> ()
      %mul3A_106 = arith.constant 1024 : i32
      %mul3A_107 = arith.muli %add3A_78, %mul3A_106 : i32
      "tpu.region"() ({
        %run_scoped3A = tpu.sem_alloc : memref<!tpu.dma_semaphore, #tpu.memory_space<semaphore_mem>>
        %dma_start3A = arith.constant 5856 : i32
        %dma_start3A_159 = tpu.memref_slice %arg4[%dma_start3A] : memref<9760xf32, #tpu.memory_space<vmem>> -> memref<976xf32, #tpu.memory_space<vmem>>
        %dma_start3A_160 = tpu.memref_slice %arg2[%mul3A_107] : memref<999424xf32, #tpu.memory_space<hbm>> -> memref<976xf32, #tpu.memory_space<hbm>>
        %dma_start3A_161 = arith.constant 5856 : i32
        %dma_start3A_162 = tpu.memref_slice %arg4[%dma_start3A_161] : memref<9760xf32, #tpu.memory_space<vmem>> -> memref<976xf32, #tpu.memory_space<vmem>>
        %dma_start3A_163 = tpu.memref_slice %arg2[%mul3A_107] : memref<999424xf32, #tpu.memory_space<hbm>> -> memref<976xf32, #tpu.memory_space<hbm>>
        tpu.enqueue_dma source(%dma_start3A_163 : memref<976xf32, #tpu.memory_space<hbm>>) target(%dma_start3A_162 : memref<976xf32, #tpu.memory_space<vmem>>) target_semaphore(%run_scoped3A : memref<!tpu.dma_semaphore, #tpu.memory_space<semaphore_mem>>)
        %dma_wait3A = arith.constant 5856 : i32
        %dma_wait3A_164 = tpu.memref_slice %arg4[%dma_wait3A] : memref<9760xf32, #tpu.memory_space<vmem>> -> memref<976xf32, #tpu.memory_space<vmem>>
        %dma_wait3A_165 = tpu.memref_slice %arg2[%mul3A_107] : memref<999424xf32, #tpu.memory_space<hbm>> -> memref<976xf32, #tpu.memory_space<hbm>>
        %dma_wait3A_166 = arith.constant 5856 : i32
        %dma_wait3A_167 = tpu.memref_slice %arg4[%dma_wait3A_166] : memref<9760xf32, #tpu.memory_space<vmem>> -> memref<976xf32, #tpu.memory_space<vmem>>
        %dma_wait3A_168 = tpu.memref_slice %arg2[%mul3A_107] : memref<999424xf32, #tpu.memory_space<hbm>> -> memref<976xf32, #tpu.memory_space<hbm>>
        tpu.wait_dma2 semaphore(%run_scoped3A : memref<!tpu.dma_semaphore, #tpu.memory_space<semaphore_mem>>) src(%dma_wait3A_168 : memref<976xf32, #tpu.memory_space<hbm>>) dst(%dma_wait3A_167 : memref<976xf32, #tpu.memory_space<vmem>>)
        tpu.yield
      }) : () -> ()
      %mul3A_108 = arith.constant 1024 : i32
      %mul3A_109 = arith.muli %add3A_83, %mul3A_108 : i32
      "tpu.region"() ({
        %run_scoped3A = tpu.sem_alloc : memref<!tpu.dma_semaphore, #tpu.memory_space<semaphore_mem>>
        %dma_start3A = arith.constant 6832 : i32
        %dma_start3A_159 = tpu.memref_slice %arg4[%dma_start3A] : memref<9760xf32, #tpu.memory_space<vmem>> -> memref<976xf32, #tpu.memory_space<vmem>>
        %dma_start3A_160 = tpu.memref_slice %arg2[%mul3A_109] : memref<999424xf32, #tpu.memory_space<hbm>> -> memref<976xf32, #tpu.memory_space<hbm>>
        %dma_start3A_161 = arith.constant 6832 : i32
        %dma_start3A_162 = tpu.memref_slice %arg4[%dma_start3A_161] : memref<9760xf32, #tpu.memory_space<vmem>> -> memref<976xf32, #tpu.memory_space<vmem>>
        %dma_start3A_163 = tpu.memref_slice %arg2[%mul3A_109] : memref<999424xf32, #tpu.memory_space<hbm>> -> memref<976xf32, #tpu.memory_space<hbm>>
        tpu.enqueue_dma source(%dma_start3A_163 : memref<976xf32, #tpu.memory_space<hbm>>) target(%dma_start3A_162 : memref<976xf32, #tpu.memory_space<vmem>>) target_semaphore(%run_scoped3A : memref<!tpu.dma_semaphore, #tpu.memory_space<semaphore_mem>>)
        %dma_wait3A = arith.constant 6832 : i32
        %dma_wait3A_164 = tpu.memref_slice %arg4[%dma_wait3A] : memref<9760xf32, #tpu.memory_space<vmem>> -> memref<976xf32, #tpu.memory_space<vmem>>
        %dma_wait3A_165 = tpu.memref_slice %arg2[%mul3A_109] : memref<999424xf32, #tpu.memory_space<hbm>> -> memref<976xf32, #tpu.memory_space<hbm>>
        %dma_wait3A_166 = arith.constant 6832 : i32
        %dma_wait3A_167 = tpu.memref_slice %arg4[%dma_wait3A_166] : memref<9760xf32, #tpu.memory_space<vmem>> -> memref<976xf32, #tpu.memory_space<vmem>>
        %dma_wait3A_168 = tpu.memref_slice %arg2[%mul3A_109] : memref<999424xf32, #tpu.memory_space<hbm>> -> memref<976xf32, #tpu.memory_space<hbm>>
        tpu.wait_dma2 semaphore(%run_scoped3A : memref<!tpu.dma_semaphore, #tpu.memory_space<semaphore_mem>>) src(%dma_wait3A_168 : memref<976xf32, #tpu.memory_space<hbm>>) dst(%dma_wait3A_167 : memref<976xf32, #tpu.memory_space<vmem>>)
        tpu.yield
      }) : () -> ()
      %mul3A_110 = arith.constant 1024 : i32
      %mul3A_111 = arith.muli %add3A_88, %mul3A_110 : i32
      "tpu.region"() ({
        %run_scoped3A = tpu.sem_alloc : memref<!tpu.dma_semaphore, #tpu.memory_space<semaphore_mem>>
        %dma_start3A = arith.constant 7808 : i32
        %dma_start3A_159 = tpu.memref_slice %arg4[%dma_start3A] : memref<9760xf32, #tpu.memory_space<vmem>> -> memref<976xf32, #tpu.memory_space<vmem>>
        %dma_start3A_160 = tpu.memref_slice %arg2[%mul3A_111] : memref<999424xf32, #tpu.memory_space<hbm>> -> memref<976xf32, #tpu.memory_space<hbm>>
        %dma_start3A_161 = arith.constant 7808 : i32
        %dma_start3A_162 = tpu.memref_slice %arg4[%dma_start3A_161] : memref<9760xf32, #tpu.memory_space<vmem>> -> memref<976xf32, #tpu.memory_space<vmem>>
        %dma_start3A_163 = tpu.memref_slice %arg2[%mul3A_111] : memref<999424xf32, #tpu.memory_space<hbm>> -> memref<976xf32, #tpu.memory_space<hbm>>
        tpu.enqueue_dma source(%dma_start3A_163 : memref<976xf32, #tpu.memory_space<hbm>>) target(%dma_start3A_162 : memref<976xf32, #tpu.memory_space<vmem>>) target_semaphore(%run_scoped3A : memref<!tpu.dma_semaphore, #tpu.memory_space<semaphore_mem>>)
        %dma_wait3A = arith.constant 7808 : i32
        %dma_wait3A_164 = tpu.memref_slice %arg4[%dma_wait3A] : memref<9760xf32, #tpu.memory_space<vmem>> -> memref<976xf32, #tpu.memory_space<vmem>>
        %dma_wait3A_165 = tpu.memref_slice %arg2[%mul3A_111] : memref<999424xf32, #tpu.memory_space<hbm>> -> memref<976xf32, #tpu.memory_space<hbm>>
        %dma_wait3A_166 = arith.constant 7808 : i32
        %dma_wait3A_167 = tpu.memref_slice %arg4[%dma_wait3A_166] : memref<9760xf32, #tpu.memory_space<vmem>> -> memref<976xf32, #tpu.memory_space<vmem>>
        %dma_wait3A_168 = tpu.memref_slice %arg2[%mul3A_111] : memref<999424xf32, #tpu.memory_space<hbm>> -> memref<976xf32, #tpu.memory_space<hbm>>
        tpu.wait_dma2 semaphore(%run_scoped3A : memref<!tpu.dma_semaphore, #tpu.memory_space<semaphore_mem>>) src(%dma_wait3A_168 : memref<976xf32, #tpu.memory_space<hbm>>) dst(%dma_wait3A_167 : memref<976xf32, #tpu.memory_space<vmem>>)
        tpu.yield
      }) : () -> ()
      %mul3A_112 = arith.constant 1024 : i32
      %mul3A_113 = arith.muli %add3A_93, %mul3A_112 : i32
      "tpu.region"() ({
        %run_scoped3A = tpu.sem_alloc : memref<!tpu.dma_semaphore, #tpu.memory_space<semaphore_mem>>
        %dma_start3A = arith.constant 8784 : i32
        %dma_start3A_159 = tpu.memref_slice %arg4[%dma_start3A] : memref<9760xf32, #tpu.memory_space<vmem>> -> memref<976xf32, #tpu.memory_space<vmem>>
        %dma_start3A_160 = tpu.memref_slice %arg2[%mul3A_113] : memref<999424xf32, #tpu.memory_space<hbm>> -> memref<976xf32, #tpu.memory_space<hbm>>
        %dma_start3A_161 = arith.constant 8784 : i32
        %dma_start3A_162 = tpu.memref_slice %arg4[%dma_start3A_161] : memref<9760xf32, #tpu.memory_space<vmem>> -> memref<976xf32, #tpu.memory_space<vmem>>
        %dma_start3A_163 = tpu.memref_slice %arg2[%mul3A_113] : memref<999424xf32, #tpu.memory_space<hbm>> -> memref<976xf32, #tpu.memory_space<hbm>>
        tpu.enqueue_dma source(%dma_start3A_163 : memref<976xf32, #tpu.memory_space<hbm>>) target(%dma_start3A_162 : memref<976xf32, #tpu.memory_space<vmem>>) target_semaphore(%run_scoped3A : memref<!tpu.dma_semaphore, #tpu.memory_space<semaphore_mem>>)
        %dma_wait3A = arith.constant 8784 : i32
        %dma_wait3A_164 = tpu.memref_slice %arg4[%dma_wait3A] : memref<9760xf32, #tpu.memory_space<vmem>> -> memref<976xf32, #tpu.memory_space<vmem>>
        %dma_wait3A_165 = tpu.memref_slice %arg2[%mul3A_113] : memref<999424xf32, #tpu.memory_space<hbm>> -> memref<976xf32, #tpu.memory_space<hbm>>
        %dma_wait3A_166 = arith.constant 8784 : i32
        %dma_wait3A_167 = tpu.memref_slice %arg4[%dma_wait3A_166] : memref<9760xf32, #tpu.memory_space<vmem>> -> memref<976xf32, #tpu.memory_space<vmem>>
        %dma_wait3A_168 = tpu.memref_slice %arg2[%mul3A_113] : memref<999424xf32, #tpu.memory_space<hbm>> -> memref<976xf32, #tpu.memory_space<hbm>>
        tpu.wait_dma2 semaphore(%run_scoped3A : memref<!tpu.dma_semaphore, #tpu.memory_space<semaphore_mem>>) src(%dma_wait3A_168 : memref<976xf32, #tpu.memory_space<hbm>>) dst(%dma_wait3A_167 : memref<976xf32, #tpu.memory_space<vmem>>)
        tpu.yield
      }) : () -> ()
      %scan3A = arith.constant 0 : i32
      %scan3A_114 = arith.constant 61 : i32
      %scan3A_115 = arith.addi %scan3A, %scan3A_114 : i32
      %scan3A_116 = arith.constant 1 : i32
      %scan3A_117:20 = scf.for %scan3A_159 = %scan3A to %scan3A_115 step %scan3A_116 iter_args(%scan3A_160 = %broadcast_in_dim3A_3, %scan3A_161 = %broadcast_in_dim3A_5, %scan3A_162 = %broadcast_in_dim3A_3, %scan3A_163 = %broadcast_in_dim3A_5, %scan3A_164 = %broadcast_in_dim3A_3, %scan3A_165 = %broadcast_in_dim3A_5, %scan3A_166 = %broadcast_in_dim3A_3, %scan3A_167 = %broadcast_in_dim3A_5, %scan3A_168 = %broadcast_in_dim3A_3, %scan3A_169 = %broadcast_in_dim3A_5, %scan3A_170 = %broadcast_in_dim3A_3, %scan3A_171 = %broadcast_in_dim3A_5, %scan3A_172 = %broadcast_in_dim3A_3, %scan3A_173 = %broadcast_in_dim3A_5, %scan3A_174 = %broadcast_in_dim3A_3, %scan3A_175 = %broadcast_in_dim3A_5, %scan3A_176 = %broadcast_in_dim3A_3, %scan3A_177 = %broadcast_in_dim3A_5, %scan3A_178 = %broadcast_in_dim3A_3, %scan3A_179 = %broadcast_in_dim3A_5) -> (vector<16xf32>, vector<16xi32>, vector<16xf32>, vector<16xi32>, vector<16xf32>, vector<16xi32>, vector<16xf32>, vector<16xi32>, vector<16xf32>, vector<16xi32>, vector<16xf32>, vector<16xi32>, vector<16xf32>, vector<16xi32>, vector<16xf32>, vector<16xi32>, vector<16xf32>, vector<16xi32>, vector<16xf32>, vector<16xi32>)  : i32 {
        %mul3A_180 = arith.constant 16 : i32
        %mul3A_181 = arith.muli %scan3A_159, %mul3A_180 : i32
        %add3A_182 = vector.broadcast %mul3A_181 : i32 to vector<16xi32>
        %add3A_183 = arith.addi %add3A_182, %iota3A : vector<16xi32>
        %add3A_184 = arith.constant 0 : i32
        %add3A_185 = arith.addi %add3A_184, %mul3A_181 : i32
        %get3A = arith.index_cast %add3A_185 : i32 to index
        %get3A_186 = tpu.vector_load %arg4[%get3A] {strides = array<i32>} : memref<9760xf32, #tpu.memory_space<vmem>>, vector<16xf32>,
        %masked_sort3A = arith.constant dense<true> : vector<16xi1>
        %masked_sort3A_187, %masked_sort3A_188, %masked_sort3A_189 = tpu.sort %get3A_186, %add3A_183 masked %masked_sort3A : (vector<16xf32>, vector<16xi32>, vector<16xi1>) -> (vector<16xi1>, vector<16xf32>, vector<16xi32>)
        %gt3A = arith.cmpf ogt, %scan3A_160, %masked_sort3A_188 : vector<16xf32>
        %eq3A_190 = arith.cmpf oeq, %scan3A_160, %masked_sort3A_188 : vector<16xf32>
        %lt3A_191 = arith.cmpi slt, %scan3A_161, %masked_sort3A_189 : vector<16xi32>
        %and3A_192 = arith.andi %eq3A_190, %lt3A_191 : vector<16xi1>
        %or3A = arith.ori %gt3A, %and3A_192 : vector<16xi1>
        %select_n3A_193 = arith.select %or3A, %scan3A_160, %masked_sort3A_188 : vector<16xi1>, vector<16xf32>
        %select_n3A_194 = arith.select %or3A, %scan3A_161, %masked_sort3A_189 : vector<16xi1>, vector<16xi32>
        %masked_sort3A_195 = arith.constant dense<true> : vector<16xi1>
        %masked_sort3A_196, %masked_sort3A_197, %masked_sort3A_198 = tpu.sort %select_n3A_193, %select_n3A_194 masked %masked_sort3A_195 {descending = true} : (vector<16xf32>, vector<16xi32>, vector<16xi1>) -> (vector<16xi1>, vector<16xf32>, vector<16xi32>)
        %add3A_199 = arith.constant 976 : i32
        %add3A_200 = arith.addi %add3A_199, %mul3A_181 : i32
        %get3A_201 = arith.index_cast %add3A_200 : i32 to index
        %get3A_202 = tpu.vector_load %arg4[%get3A_201] {strides = array<i32>} : memref<9760xf32, #tpu.memory_space<vmem>>, vector<16xf32>,
        %masked_sort3A_203 = arith.constant dense<true> : vector<16xi1>
        %masked_sort3A_204, %masked_sort3A_205, %masked_sort3A_206 = tpu.sort %get3A_202, %add3A_183 masked %masked_sort3A_203 : (vector<16xf32>, vector<16xi32>, vector<16xi1>) -> (vector<16xi1>, vector<16xf32>, vector<16xi32>)
        %gt3A_207 = arith.cmpf ogt, %scan3A_162, %masked_sort3A_205 : vector<16xf32>
        %eq3A_208 = arith.cmpf oeq, %scan3A_162, %masked_sort3A_205 : vector<16xf32>
        %lt3A_209 = arith.cmpi slt, %scan3A_163, %masked_sort3A_206 : vector<16xi32>
        %and3A_210 = arith.andi %eq3A_208, %lt3A_209 : vector<16xi1>
        %or3A_211 = arith.ori %gt3A_207, %and3A_210 : vector<16xi1>
        %select_n3A_212 = arith.select %or3A_211, %scan3A_162, %masked_sort3A_205 : vector<16xi1>, vector<16xf32>
        %select_n3A_213 = arith.select %or3A_211, %scan3A_163, %masked_sort3A_206 : vector<16xi1>, vector<16xi32>
        %masked_sort3A_214 = arith.constant dense<true> : vector<16xi1>
        %masked_sort3A_215, %masked_sort3A_216, %masked_sort3A_217 = tpu.sort %select_n3A_212, %select_n3A_213 masked %masked_sort3A_214 {descending = true} : (vector<16xf32>, vector<16xi32>, vector<16xi1>) -> (vector<16xi1>, vector<16xf32>, vector<16xi32>)
        %add3A_218 = arith.constant 1952 : i32
        %add3A_219 = arith.addi %add3A_218, %mul3A_181 : i32
        %get3A_220 = arith.index_cast %add3A_219 : i32 to index
        %get3A_221 = tpu.vector_load %arg4[%get3A_220] {strides = array<i32>} : memref<9760xf32, #tpu.memory_space<vmem>>, vector<16xf32>,
        %masked_sort3A_222 = arith.constant dense<true> : vector<16xi1>
        %masked_sort3A_223, %masked_sort3A_224, %masked_sort3A_225 = tpu.sort %get3A_221, %add3A_183 masked %masked_sort3A_222 : (vector<16xf32>, vector<16xi32>, vector<16xi1>) -> (vector<16xi1>, vector<16xf32>, vector<16xi32>)
        %gt3A_226 = arith.cmpf ogt, %scan3A_164, %masked_sort3A_224 : vector<16xf32>
        %eq3A_227 = arith.cmpf oeq, %scan3A_164, %masked_sort3A_224 : vector<16xf32>
        %lt3A_228 = arith.cmpi slt, %scan3A_165, %masked_sort3A_225 : vector<16xi32>
        %and3A_229 = arith.andi %eq3A_227, %lt3A_228 : vector<16xi1>
        %or3A_230 = arith.ori %gt3A_226, %and3A_229 : vector<16xi1>
        %select_n3A_231 = arith.select %or3A_230, %scan3A_164, %masked_sort3A_224 : vector<16xi1>, vector<16xf32>
        %select_n3A_232 = arith.select %or3A_230, %scan3A_165, %masked_sort3A_225 : vector<16xi1>, vector<16xi32>
        %masked_sort3A_233 = arith.constant dense<true> : vector<16xi1>
        %masked_sort3A_234, %masked_sort3A_235, %masked_sort3A_236 = tpu.sort %select_n3A_231, %select_n3A_232 masked %masked_sort3A_233 {descending = true} : (vector<16xf32>, vector<16xi32>, vector<16xi1>) -> (vector<16xi1>, vector<16xf32>, vector<16xi32>)
        %add3A_237 = arith.constant 2928 : i32
        %add3A_238 = arith.addi %add3A_237, %mul3A_181 : i32
        %get3A_239 = arith.index_cast %add3A_238 : i32 to index
        %get3A_240 = tpu.vector_load %arg4[%get3A_239] {strides = array<i32>} : memref<9760xf32, #tpu.memory_space<vmem>>, vector<16xf32>,
        %masked_sort3A_241 = arith.constant dense<true> : vector<16xi1>
        %masked_sort3A_242, %masked_sort3A_243, %masked_sort3A_244 = tpu.sort %get3A_240, %add3A_183 masked %masked_sort3A_241 : (vector<16xf32>, vector<16xi32>, vector<16xi1>) -> (vector<16xi1>, vector<16xf32>, vector<16xi32>)
        %gt3A_245 = arith.cmpf ogt, %scan3A_166, %masked_sort3A_243 : vector<16xf32>
        %eq3A_246 = arith.cmpf oeq, %scan3A_166, %masked_sort3A_243 : vector<16xf32>
        %lt3A_247 = arith.cmpi slt, %scan3A_167, %masked_sort3A_244 : vector<16xi32>
        %and3A_248 = arith.andi %eq3A_246, %lt3A_247 : vector<16xi1>
        %or3A_249 = arith.ori %gt3A_245, %and3A_248 : vector<16xi1>
        %select_n3A_250 = arith.select %or3A_249, %scan3A_166, %masked_sort3A_243 : vector<16xi1>, vector<16xf32>
        %select_n3A_251 = arith.select %or3A_249, %scan3A_167, %masked_sort3A_244 : vector<16xi1>, vector<16xi32>
        %masked_sort3A_252 = arith.constant dense<true> : vector<16xi1>
        %masked_sort3A_253, %masked_sort3A_254, %masked_sort3A_255 = tpu.sort %select_n3A_250, %select_n3A_251 masked %masked_sort3A_252 {descending = true} : (vector<16xf32>, vector<16xi32>, vector<16xi1>) -> (vector<16xi1>, vector<16xf32>, vector<16xi32>)
        %add3A_256 = arith.constant 3904 : i32
        %add3A_257 = arith.addi %add3A_256, %mul3A_181 : i32
        %get3A_258 = arith.index_cast %add3A_257 : i32 to index
        %get3A_259 = tpu.vector_load %arg4[%get3A_258] {strides = array<i32>} : memref<9760xf32, #tpu.memory_space<vmem>>, vector<16xf32>,
        %masked_sort3A_260 = arith.constant dense<true> : vector<16xi1>
        %masked_sort3A_261, %masked_sort3A_262, %masked_sort3A_263 = tpu.sort %get3A_259, %add3A_183 masked %masked_sort3A_260 : (vector<16xf32>, vector<16xi32>, vector<16xi1>) -> (vector<16xi1>, vector<16xf32>, vector<16xi32>)
        %gt3A_264 = arith.cmpf ogt, %scan3A_168, %masked_sort3A_262 : vector<16xf32>
        %eq3A_265 = arith.cmpf oeq, %scan3A_168, %masked_sort3A_262 : vector<16xf32>
        %lt3A_266 = arith.cmpi slt, %scan3A_169, %masked_sort3A_263 : vector<16xi32>
        %and3A_267 = arith.andi %eq3A_265, %lt3A_266 : vector<16xi1>
        %or3A_268 = arith.ori %gt3A_264, %and3A_267 : vector<16xi1>
        %select_n3A_269 = arith.select %or3A_268, %scan3A_168, %masked_sort3A_262 : vector<16xi1>, vector<16xf32>
        %select_n3A_270 = arith.select %or3A_268, %scan3A_169, %masked_sort3A_263 : vector<16xi1>, vector<16xi32>
        %masked_sort3A_271 = arith.constant dense<true> : vector<16xi1>
        %masked_sort3A_272, %masked_sort3A_273, %masked_sort3A_274 = tpu.sort %select_n3A_269, %select_n3A_270 masked %masked_sort3A_271 {descending = true} : (vector<16xf32>, vector<16xi32>, vector<16xi1>) -> (vector<16xi1>, vector<16xf32>, vector<16xi32>)
        %add3A_275 = arith.constant 4880 : i32
        %add3A_276 = arith.addi %add3A_275, %mul3A_181 : i32
        %get3A_277 = arith.index_cast %add3A_276 : i32 to index
        %get3A_278 = tpu.vector_load %arg4[%get3A_277] {strides = array<i32>} : memref<9760xf32, #tpu.memory_space<vmem>>, vector<16xf32>,
        %masked_sort3A_279 = arith.constant dense<true> : vector<16xi1>
        %masked_sort3A_280, %masked_sort3A_281, %masked_sort3A_282 = tpu.sort %get3A_278, %add3A_183 masked %masked_sort3A_279 : (vector<16xf32>, vector<16xi32>, vector<16xi1>) -> (vector<16xi1>, vector<16xf32>, vector<16xi32>)
        %gt3A_283 = arith.cmpf ogt, %scan3A_170, %masked_sort3A_281 : vector<16xf32>
        %eq3A_284 = arith.cmpf oeq, %scan3A_170, %masked_sort3A_281 : vector<16xf32>
        %lt3A_285 = arith.cmpi slt, %scan3A_171, %masked_sort3A_282 : vector<16xi32>
        %and3A_286 = arith.andi %eq3A_284, %lt3A_285 : vector<16xi1>
        %or3A_287 = arith.ori %gt3A_283, %and3A_286 : vector<16xi1>
        %select_n3A_288 = arith.select %or3A_287, %scan3A_170, %masked_sort3A_281 : vector<16xi1>, vector<16xf32>
        %select_n3A_289 = arith.select %or3A_287, %scan3A_171, %masked_sort3A_282 : vector<16xi1>, vector<16xi32>
        %masked_sort3A_290 = arith.constant dense<true> : vector<16xi1>
        %masked_sort3A_291, %masked_sort3A_292, %masked_sort3A_293 = tpu.sort %select_n3A_288, %select_n3A_289 masked %masked_sort3A_290 {descending = true} : (vector<16xf32>, vector<16xi32>, vector<16xi1>) -> (vector<16xi1>, vector<16xf32>, vector<16xi32>)
        %add3A_294 = arith.constant 5856 : i32
        %add3A_295 = arith.addi %add3A_294, %mul3A_181 : i32
        %get3A_296 = arith.index_cast %add3A_295 : i32 to index
        %get3A_297 = tpu.vector_load %arg4[%get3A_296] {strides = array<i32>} : memref<9760xf32, #tpu.memory_space<vmem>>, vector<16xf32>,
        %masked_sort3A_298 = arith.constant dense<true> : vector<16xi1>
        %masked_sort3A_299, %masked_sort3A_300, %masked_sort3A_301 = tpu.sort %get3A_297, %add3A_183 masked %masked_sort3A_298 : (vector<16xf32>, vector<16xi32>, vector<16xi1>) -> (vector<16xi1>, vector<16xf32>, vector<16xi32>)
        %gt3A_302 = arith.cmpf ogt, %scan3A_172, %masked_sort3A_300 : vector<16xf32>
        %eq3A_303 = arith.cmpf oeq, %scan3A_172, %masked_sort3A_300 : vector<16xf32>
        %lt3A_304 = arith.cmpi slt, %scan3A_173, %masked_sort3A_301 : vector<16xi32>
        %and3A_305 = arith.andi %eq3A_303, %lt3A_304 : vector<16xi1>
        %or3A_306 = arith.ori %gt3A_302, %and3A_305 : vector<16xi1>
        %select_n3A_307 = arith.select %or3A_306, %scan3A_172, %masked_sort3A_300 : vector<16xi1>, vector<16xf32>
        %select_n3A_308 = arith.select %or3A_306, %scan3A_173, %masked_sort3A_301 : vector<16xi1>, vector<16xi32>
        %masked_sort3A_309 = arith.constant dense<true> : vector<16xi1>
        %masked_sort3A_310, %masked_sort3A_311, %masked_sort3A_312 = tpu.sort %select_n3A_307, %select_n3A_308 masked %masked_sort3A_309 {descending = true} : (vector<16xf32>, vector<16xi32>, vector<16xi1>) -> (vector<16xi1>, vector<16xf32>, vector<16xi32>)
        %add3A_313 = arith.constant 6832 : i32
        %add3A_314 = arith.addi %add3A_313, %mul3A_181 : i32
        %get3A_315 = arith.index_cast %add3A_314 : i32 to index
        %get3A_316 = tpu.vector_load %arg4[%get3A_315] {strides = array<i32>} : memref<9760xf32, #tpu.memory_space<vmem>>, vector<16xf32>,
        %masked_sort3A_317 = arith.constant dense<true> : vector<16xi1>
        %masked_sort3A_318, %masked_sort3A_319, %masked_sort3A_320 = tpu.sort %get3A_316, %add3A_183 masked %masked_sort3A_317 : (vector<16xf32>, vector<16xi32>, vector<16xi1>) -> (vector<16xi1>, vector<16xf32>, vector<16xi32>)
        %gt3A_321 = arith.cmpf ogt, %scan3A_174, %masked_sort3A_319 : vector<16xf32>
        %eq3A_322 = arith.cmpf oeq, %scan3A_174, %masked_sort3A_319 : vector<16xf32>
        %lt3A_323 = arith.cmpi slt, %scan3A_175, %masked_sort3A_320 : vector<16xi32>
        %and3A_324 = arith.andi %eq3A_322, %lt3A_323 : vector<16xi1>
        %or3A_325 = arith.ori %gt3A_321, %and3A_324 : vector<16xi1>
        %select_n3A_326 = arith.select %or3A_325, %scan3A_174, %masked_sort3A_319 : vector<16xi1>, vector<16xf32>
        %select_n3A_327 = arith.select %or3A_325, %scan3A_175, %masked_sort3A_320 : vector<16xi1>, vector<16xi32>
        %masked_sort3A_328 = arith.constant dense<true> : vector<16xi1>
        %masked_sort3A_329, %masked_sort3A_330, %masked_sort3A_331 = tpu.sort %select_n3A_326, %select_n3A_327 masked %masked_sort3A_328 {descending = true} : (vector<16xf32>, vector<16xi32>, vector<16xi1>) -> (vector<16xi1>, vector<16xf32>, vector<16xi32>)
        %add3A_332 = arith.constant 7808 : i32
        %add3A_333 = arith.addi %add3A_332, %mul3A_181 : i32
        %get3A_334 = arith.index_cast %add3A_333 : i32 to index
        %get3A_335 = tpu.vector_load %arg4[%get3A_334] {strides = array<i32>} : memref<9760xf32, #tpu.memory_space<vmem>>, vector<16xf32>,
        %masked_sort3A_336 = arith.constant dense<true> : vector<16xi1>
        %masked_sort3A_337, %masked_sort3A_338, %masked_sort3A_339 = tpu.sort %get3A_335, %add3A_183 masked %masked_sort3A_336 : (vector<16xf32>, vector<16xi32>, vector<16xi1>) -> (vector<16xi1>, vector<16xf32>, vector<16xi32>)
        %gt3A_340 = arith.cmpf ogt, %scan3A_176, %masked_sort3A_338 : vector<16xf32>
        %eq3A_341 = arith.cmpf oeq, %scan3A_176, %masked_sort3A_338 : vector<16xf32>
        %lt3A_342 = arith.cmpi slt, %scan3A_177, %masked_sort3A_339 : vector<16xi32>
        %and3A_343 = arith.andi %eq3A_341, %lt3A_342 : vector<16xi1>
        %or3A_344 = arith.ori %gt3A_340, %and3A_343 : vector<16xi1>
        %select_n3A_345 = arith.select %or3A_344, %scan3A_176, %masked_sort3A_338 : vector<16xi1>, vector<16xf32>
        %select_n3A_346 = arith.select %or3A_344, %scan3A_177, %masked_sort3A_339 : vector<16xi1>, vector<16xi32>
        %masked_sort3A_347 = arith.constant dense<true> : vector<16xi1>
        %masked_sort3A_348, %masked_sort3A_349, %masked_sort3A_350 = tpu.sort %select_n3A_345, %select_n3A_346 masked %masked_sort3A_347 {descending = true} : (vector<16xf32>, vector<16xi32>, vector<16xi1>) -> (vector<16xi1>, vector<16xf32>, vector<16xi32>)
        %add3A_351 = arith.constant 8784 : i32
        %add3A_352 = arith.addi %add3A_351, %mul3A_181 : i32
        %get3A_353 = arith.index_cast %add3A_352 : i32 to index
        %get3A_354 = tpu.vector_load %arg4[%get3A_353] {strides = array<i32>} : memref<9760xf32, #tpu.memory_space<vmem>>, vector<16xf32>,
        %masked_sort3A_355 = arith.constant dense<true> : vector<16xi1>
        %masked_sort3A_356, %masked_sort3A_357, %masked_sort3A_358 = tpu.sort %get3A_354, %add3A_183 masked %masked_sort3A_355 : (vector<16xf32>, vector<16xi32>, vector<16xi1>) -> (vector<16xi1>, vector<16xf32>, vector<16xi32>)
        %gt3A_359 = arith.cmpf ogt, %scan3A_178, %masked_sort3A_357 : vector<16xf32>
        %eq3A_360 = arith.cmpf oeq, %scan3A_178, %masked_sort3A_357 : vector<16xf32>
        %lt3A_361 = arith.cmpi slt, %scan3A_179, %masked_sort3A_358 : vector<16xi32>
        %and3A_362 = arith.andi %eq3A_360, %lt3A_361 : vector<16xi1>
        %or3A_363 = arith.ori %gt3A_359, %and3A_362 : vector<16xi1>
        %select_n3A_364 = arith.select %or3A_363, %scan3A_178, %masked_sort3A_357 : vector<16xi1>, vector<16xf32>
        %select_n3A_365 = arith.select %or3A_363, %scan3A_179, %masked_sort3A_358 : vector<16xi1>, vector<16xi32>
        %masked_sort3A_366 = arith.constant dense<true> : vector<16xi1>
        %masked_sort3A_367, %masked_sort3A_368, %masked_sort3A_369 = tpu.sort %select_n3A_364, %select_n3A_365 masked %masked_sort3A_366 {descending = true} : (vector<16xf32>, vector<16xi32>, vector<16xi1>) -> (vector<16xi1>, vector<16xf32>, vector<16xi32>)
        scf.yield %masked_sort3A_197, %masked_sort3A_198, %masked_sort3A_216, %masked_sort3A_217, %masked_sort3A_235, %masked_sort3A_236, %masked_sort3A_254, %masked_sort3A_255, %masked_sort3A_273, %masked_sort3A_274, %masked_sort3A_292, %masked_sort3A_293, %masked_sort3A_311, %masked_sort3A_312, %masked_sort3A_330, %masked_sort3A_331, %masked_sort3A_349, %masked_sort3A_350, %masked_sort3A_368, %masked_sort3A_369 : vector<16xf32>, vector<16xi32>, vector<16xf32>, vector<16xi32>, vector<16xf32>, vector<16xi32>, vector<16xf32>, vector<16xi32>, vector<16xf32>, vector<16xi32>, vector<16xf32>, vector<16xi32>, vector<16xf32>, vector<16xi32>, vector<16xf32>, vector<16xi32>, vector<16xf32>, vector<16xi32>, vector<16xf32>, vector<16xi32>
      }
      %scan3A_118 = arith.constant 61 : i32
      %swap3A = arith.constant 0 : index
      %swap3A_119 = tpu.vector_load %arg5[%swap3A] {strides = array<i32>} : memref<16xi32, #tpu.memory_space<vmem>>, vector<16xi32>,
      tpu.vector_store %arg5[%swap3A], %scan3A_117#1 {strides = array<i32>} : memref<16xi32, #tpu.memory_space<vmem>>, vector<16xi32>,
      %mul3A_120 = arith.constant 16 : i32
      %mul3A_121 = arith.muli %add3A_48, %mul3A_120 : i32
      "tpu.region"() ({
        %run_scoped3A = tpu.sem_alloc : memref<!tpu.dma_semaphore, #tpu.memory_space<semaphore_mem>>
        %dma_start3A = tpu.memref_slice %arg3[%mul3A_121] : memref<15520xi32, #tpu.memory_space<hbm>> -> memref<16xi32, #tpu.memory_space<hbm>>
        %dma_start3A_159 = tpu.memref_slice %arg3[%mul3A_121] : memref<15520xi32, #tpu.memory_space<hbm>> -> memref<16xi32, #tpu.memory_space<hbm>>
        tpu.enqueue_dma source(%arg5 : memref<16xi32, #tpu.memory_space<vmem>>) target(%dma_start3A_159 : memref<16xi32, #tpu.memory_space<hbm>>) target_semaphore(%run_scoped3A : memref<!tpu.dma_semaphore, #tpu.memory_space<semaphore_mem>>)
        %dma_wait3A = tpu.memref_slice %arg3[%mul3A_121] : memref<15520xi32, #tpu.memory_space<hbm>> -> memref<16xi32, #tpu.memory_space<hbm>>
        %dma_wait3A_160 = tpu.memref_slice %arg3[%mul3A_121] : memref<15520xi32, #tpu.memory_space<hbm>> -> memref<16xi32, #tpu.memory_space<hbm>>
        tpu.wait_dma2 semaphore(%run_scoped3A : memref<!tpu.dma_semaphore, #tpu.memory_space<semaphore_mem>>) src(%arg5 : memref<16xi32, #tpu.memory_space<vmem>>) dst(%dma_wait3A_160 : memref<16xi32, #tpu.memory_space<hbm>>)
        tpu.yield
      }) : () -> ()
      %swap3A_122 = arith.constant 0 : index
      %swap3A_123 = tpu.vector_load %arg5[%swap3A_122] {strides = array<i32>} : memref<16xi32, #tpu.memory_space<vmem>>, vector<16xi32>,
      tpu.vector_store %arg5[%swap3A_122], %scan3A_117#3 {strides = array<i32>} : memref<16xi32, #tpu.memory_space<vmem>>, vector<16xi32>,
      %mul3A_124 = arith.constant 16 : i32
      %mul3A_125 = arith.muli %add3A_53, %mul3A_124 : i32
      "tpu.region"() ({
        %run_scoped3A = tpu.sem_alloc : memref<!tpu.dma_semaphore, #tpu.memory_space<semaphore_mem>>
        %dma_start3A = tpu.memref_slice %arg3[%mul3A_125] : memref<15520xi32, #tpu.memory_space<hbm>> -> memref<16xi32, #tpu.memory_space<hbm>>
        %dma_start3A_159 = tpu.memref_slice %arg3[%mul3A_125] : memref<15520xi32, #tpu.memory_space<hbm>> -> memref<16xi32, #tpu.memory_space<hbm>>
        tpu.enqueue_dma source(%arg5 : memref<16xi32, #tpu.memory_space<vmem>>) target(%dma_start3A_159 : memref<16xi32, #tpu.memory_space<hbm>>) target_semaphore(%run_scoped3A : memref<!tpu.dma_semaphore, #tpu.memory_space<semaphore_mem>>)
        %dma_wait3A = tpu.memref_slice %arg3[%mul3A_125] : memref<15520xi32, #tpu.memory_space<hbm>> -> memref<16xi32, #tpu.memory_space<hbm>>
        %dma_wait3A_160 = tpu.memref_slice %arg3[%mul3A_125] : memref<15520xi32, #tpu.memory_space<hbm>> -> memref<16xi32, #tpu.memory_space<hbm>>
        tpu.wait_dma2 semaphore(%run_scoped3A : memref<!tpu.dma_semaphore, #tpu.memory_space<semaphore_mem>>) src(%arg5 : memref<16xi32, #tpu.memory_space<vmem>>) dst(%dma_wait3A_160 : memref<16xi32, #tpu.memory_space<hbm>>)
        tpu.yield
      }) : () -> ()
      %swap3A_126 = arith.constant 0 : index
      %swap3A_127 = tpu.vector_load %arg5[%swap3A_126] {strides = array<i32>} : memref<16xi32, #tpu.memory_space<vmem>>, vector<16xi32>,
      tpu.vector_store %arg5[%swap3A_126], %scan3A_117#5 {strides = array<i32>} : memref<16xi32, #tpu.memory_space<vmem>>, vector<16xi32>,
      %mul3A_128 = arith.constant 16 : i32
      %mul3A_129 = arith.muli %add3A_58, %mul3A_128 : i32
      "tpu.region"() ({
        %run_scoped3A = tpu.sem_alloc : memref<!tpu.dma_semaphore, #tpu.memory_space<semaphore_mem>>
        %dma_start3A = tpu.memref_slice %arg3[%mul3A_129] : memref<15520xi32, #tpu.memory_space<hbm>> -> memref<16xi32, #tpu.memory_space<hbm>>
        %dma_start3A_159 = tpu.memref_slice %arg3[%mul3A_129] : memref<15520xi32, #tpu.memory_space<hbm>> -> memref<16xi32, #tpu.memory_space<hbm>>
        tpu.enqueue_dma source(%arg5 : memref<16xi32, #tpu.memory_space<vmem>>) target(%dma_start3A_159 : memref<16xi32, #tpu.memory_space<hbm>>) target_semaphore(%run_scoped3A : memref<!tpu.dma_semaphore, #tpu.memory_space<semaphore_mem>>)
        %dma_wait3A = tpu.memref_slice %arg3[%mul3A_129] : memref<15520xi32, #tpu.memory_space<hbm>> -> memref<16xi32, #tpu.memory_space<hbm>>
        %dma_wait3A_160 = tpu.memref_slice %arg3[%mul3A_129] : memref<15520xi32, #tpu.memory_space<hbm>> -> memref<16xi32, #tpu.memory_space<hbm>>
        tpu.wait_dma2 semaphore(%run_scoped3A : memref<!tpu.dma_semaphore, #tpu.memory_space<semaphore_mem>>) src(%arg5 : memref<16xi32, #tpu.memory_space<vmem>>) dst(%dma_wait3A_160 : memref<16xi32, #tpu.memory_space<hbm>>)
        tpu.yield
      }) : () -> ()
      %swap3A_130 = arith.constant 0 : index
      %swap3A_131 = tpu.vector_load %arg5[%swap3A_130] {strides = array<i32>} : memref<16xi32, #tpu.memory_space<vmem>>, vector<16xi32>,
      tpu.vector_store %arg5[%swap3A_130], %scan3A_117#7 {strides = array<i32>} : memref<16xi32, #tpu.memory_space<vmem>>, vector<16xi32>,
      %mul3A_132 = arith.constant 16 : i32
      %mul3A_133 = arith.muli %add3A_63, %mul3A_132 : i32
      "tpu.region"() ({
        %run_scoped3A = tpu.sem_alloc : memref<!tpu.dma_semaphore, #tpu.memory_space<semaphore_mem>>
        %dma_start3A = tpu.memref_slice %arg3[%mul3A_133] : memref<15520xi32, #tpu.memory_space<hbm>> -> memref<16xi32, #tpu.memory_space<hbm>>
        %dma_start3A_159 = tpu.memref_slice %arg3[%mul3A_133] : memref<15520xi32, #tpu.memory_space<hbm>> -> memref<16xi32, #tpu.memory_space<hbm>>
        tpu.enqueue_dma source(%arg5 : memref<16xi32, #tpu.memory_space<vmem>>) target(%dma_start3A_159 : memref<16xi32, #tpu.memory_space<hbm>>) target_semaphore(%run_scoped3A : memref<!tpu.dma_semaphore, #tpu.memory_space<semaphore_mem>>)
        %dma_wait3A = tpu.memref_slice %arg3[%mul3A_133] : memref<15520xi32, #tpu.memory_space<hbm>> -> memref<16xi32, #tpu.memory_space<hbm>>
        %dma_wait3A_160 = tpu.memref_slice %arg3[%mul3A_133] : memref<15520xi32, #tpu.memory_space<hbm>> -> memref<16xi32, #tpu.memory_space<hbm>>
        tpu.wait_dma2 semaphore(%run_scoped3A : memref<!tpu.dma_semaphore, #tpu.memory_space<semaphore_mem>>) src(%arg5 : memref<16xi32, #tpu.memory_space<vmem>>) dst(%dma_wait3A_160 : memref<16xi32, #tpu.memory_space<hbm>>)
        tpu.yield
      }) : () -> ()
      %swap3A_134 = arith.constant 0 : index
      %swap3A_135 = tpu.vector_load %arg5[%swap3A_134] {strides = array<i32>} : memref<16xi32, #tpu.memory_space<vmem>>, vector<16xi32>,
      tpu.vector_store %arg5[%swap3A_134], %scan3A_117#9 {strides = array<i32>} : memref<16xi32, #tpu.memory_space<vmem>>, vector<16xi32>,
      %mul3A_136 = arith.constant 16 : i32
      %mul3A_137 = arith.muli %add3A_68, %mul3A_136 : i32
      "tpu.region"() ({
        %run_scoped3A = tpu.sem_alloc : memref<!tpu.dma_semaphore, #tpu.memory_space<semaphore_mem>>
        %dma_start3A = tpu.memref_slice %arg3[%mul3A_137] : memref<15520xi32, #tpu.memory_space<hbm>> -> memref<16xi32, #tpu.memory_space<hbm>>
        %dma_start3A_159 = tpu.memref_slice %arg3[%mul3A_137] : memref<15520xi32, #tpu.memory_space<hbm>> -> memref<16xi32, #tpu.memory_space<hbm>>
        tpu.enqueue_dma source(%arg5 : memref<16xi32, #tpu.memory_space<vmem>>) target(%dma_start3A_159 : memref<16xi32, #tpu.memory_space<hbm>>) target_semaphore(%run_scoped3A : memref<!tpu.dma_semaphore, #tpu.memory_space<semaphore_mem>>)
        %dma_wait3A = tpu.memref_slice %arg3[%mul3A_137] : memref<15520xi32, #tpu.memory_space<hbm>> -> memref<16xi32, #tpu.memory_space<hbm>>
        %dma_wait3A_160 = tpu.memref_slice %arg3[%mul3A_137] : memref<15520xi32, #tpu.memory_space<hbm>> -> memref<16xi32, #tpu.memory_space<hbm>>
        tpu.wait_dma2 semaphore(%run_scoped3A : memref<!tpu.dma_semaphore, #tpu.memory_space<semaphore_mem>>) src(%arg5 : memref<16xi32, #tpu.memory_space<vmem>>) dst(%dma_wait3A_160 : memref<16xi32, #tpu.memory_space<hbm>>)
        tpu.yield
      }) : () -> ()
      %swap3A_138 = arith.constant 0 : index
      %swap3A_139 = tpu.vector_load %arg5[%swap3A_138] {strides = array<i32>} : memref<16xi32, #tpu.memory_space<vmem>>, vector<16xi32>,
      tpu.vector_store %arg5[%swap3A_138], %scan3A_117#11 {strides = array<i32>} : memref<16xi32, #tpu.memory_space<vmem>>, vector<16xi32>,
      %mul3A_140 = arith.constant 16 : i32
      %mul3A_141 = arith.muli %add3A_73, %mul3A_140 : i32
      "tpu.region"() ({
        %run_scoped3A = tpu.sem_alloc : memref<!tpu.dma_semaphore, #tpu.memory_space<semaphore_mem>>
        %dma_start3A = tpu.memref_slice %arg3[%mul3A_141] : memref<15520xi32, #tpu.memory_space<hbm>> -> memref<16xi32, #tpu.memory_space<hbm>>
        %dma_start3A_159 = tpu.memref_slice %arg3[%mul3A_141] : memref<15520xi32, #tpu.memory_space<hbm>> -> memref<16xi32, #tpu.memory_space<hbm>>
        tpu.enqueue_dma source(%arg5 : memref<16xi32, #tpu.memory_space<vmem>>) target(%dma_start3A_159 : memref<16xi32, #tpu.memory_space<hbm>>) target_semaphore(%run_scoped3A : memref<!tpu.dma_semaphore, #tpu.memory_space<semaphore_mem>>)
        %dma_wait3A = tpu.memref_slice %arg3[%mul3A_141] : memref<15520xi32, #tpu.memory_space<hbm>> -> memref<16xi32, #tpu.memory_space<hbm>>
        %dma_wait3A_160 = tpu.memref_slice %arg3[%mul3A_141] : memref<15520xi32, #tpu.memory_space<hbm>> -> memref<16xi32, #tpu.memory_space<hbm>>
        tpu.wait_dma2 semaphore(%run_scoped3A : memref<!tpu.dma_semaphore, #tpu.memory_space<semaphore_mem>>) src(%arg5 : memref<16xi32, #tpu.memory_space<vmem>>) dst(%dma_wait3A_160 : memref<16xi32, #tpu.memory_space<hbm>>)
        tpu.yield
      }) : () -> ()
      %swap3A_142 = arith.constant 0 : index
      %swap3A_143 = tpu.vector_load %arg5[%swap3A_142] {strides = array<i32>} : memref<16xi32, #tpu.memory_space<vmem>>, vector<16xi32>,
      tpu.vector_store %arg5[%swap3A_142], %scan3A_117#13 {strides = array<i32>} : memref<16xi32, #tpu.memory_space<vmem>>, vector<16xi32>,
      %mul3A_144 = arith.constant 16 : i32
      %mul3A_145 = arith.muli %add3A_78, %mul3A_144 : i32
      "tpu.region"() ({
        %run_scoped3A = tpu.sem_alloc : memref<!tpu.dma_semaphore, #tpu.memory_space<semaphore_mem>>
        %dma_start3A = tpu.memref_slice %arg3[%mul3A_145] : memref<15520xi32, #tpu.memory_space<hbm>> -> memref<16xi32, #tpu.memory_space<hbm>>
        %dma_start3A_159 = tpu.memref_slice %arg3[%mul3A_145] : memref<15520xi32, #tpu.memory_space<hbm>> -> memref<16xi32, #tpu.memory_space<hbm>>
        tpu.enqueue_dma source(%arg5 : memref<16xi32, #tpu.memory_space<vmem>>) target(%dma_start3A_159 : memref<16xi32, #tpu.memory_space<hbm>>) target_semaphore(%run_scoped3A : memref<!tpu.dma_semaphore, #tpu.memory_space<semaphore_mem>>)
        %dma_wait3A = tpu.memref_slice %arg3[%mul3A_145] : memref<15520xi32, #tpu.memory_space<hbm>> -> memref<16xi32, #tpu.memory_space<hbm>>
        %dma_wait3A_160 = tpu.memref_slice %arg3[%mul3A_145] : memref<15520xi32, #tpu.memory_space<hbm>> -> memref<16xi32, #tpu.memory_space<hbm>>
        tpu.wait_dma2 semaphore(%run_scoped3A : memref<!tpu.dma_semaphore, #tpu.memory_space<semaphore_mem>>) src(%arg5 : memref<16xi32, #tpu.memory_space<vmem>>) dst(%dma_wait3A_160 : memref<16xi32, #tpu.memory_space<hbm>>)
        tpu.yield
      }) : () -> ()
      %swap3A_146 = arith.constant 0 : index
      %swap3A_147 = tpu.vector_load %arg5[%swap3A_146] {strides = array<i32>} : memref<16xi32, #tpu.memory_space<vmem>>, vector<16xi32>,
      tpu.vector_store %arg5[%swap3A_146], %scan3A_117#15 {strides = array<i32>} : memref<16xi32, #tpu.memory_space<vmem>>, vector<16xi32>,
      %mul3A_148 = arith.constant 16 : i32
      %mul3A_149 = arith.muli %add3A_83, %mul3A_148 : i32
      "tpu.region"() ({
        %run_scoped3A = tpu.sem_alloc : memref<!tpu.dma_semaphore, #tpu.memory_space<semaphore_mem>>
        %dma_start3A = tpu.memref_slice %arg3[%mul3A_149] : memref<15520xi32, #tpu.memory_space<hbm>> -> memref<16xi32, #tpu.memory_space<hbm>>
        %dma_start3A_159 = tpu.memref_slice %arg3[%mul3A_149] : memref<15520xi32, #tpu.memory_space<hbm>> -> memref<16xi32, #tpu.memory_space<hbm>>
        tpu.enqueue_dma source(%arg5 : memref<16xi32, #tpu.memory_space<vmem>>) target(%dma_start3A_159 : memref<16xi32, #tpu.memory_space<hbm>>) target_semaphore(%run_scoped3A : memref<!tpu.dma_semaphore, #tpu.memory_space<semaphore_mem>>)
        %dma_wait3A = tpu.memref_slice %arg3[%mul3A_149] : memref<15520xi32, #tpu.memory_space<hbm>> -> memref<16xi32, #tpu.memory_space<hbm>>
        %dma_wait3A_160 = tpu.memref_slice %arg3[%mul3A_149] : memref<15520xi32, #tpu.memory_space<hbm>> -> memref<16xi32, #tpu.memory_space<hbm>>
        tpu.wait_dma2 semaphore(%run_scoped3A : memref<!tpu.dma_semaphore, #tpu.memory_space<semaphore_mem>>) src(%arg5 : memref<16xi32, #tpu.memory_space<vmem>>) dst(%dma_wait3A_160 : memref<16xi32, #tpu.memory_space<hbm>>)
        tpu.yield
      }) : () -> ()
      %swap3A_150 = arith.constant 0 : index
      %swap3A_151 = tpu.vector_load %arg5[%swap3A_150] {strides = array<i32>} : memref<16xi32, #tpu.memory_space<vmem>>, vector<16xi32>,
      tpu.vector_store %arg5[%swap3A_150], %scan3A_117#17 {strides = array<i32>} : memref<16xi32, #tpu.memory_space<vmem>>, vector<16xi32>,
      %mul3A_152 = arith.constant 16 : i32
      %mul3A_153 = arith.muli %add3A_88, %mul3A_152 : i32
      "tpu.region"() ({
        %run_scoped3A = tpu.sem_alloc : memref<!tpu.dma_semaphore, #tpu.memory_space<semaphore_mem>>
        %dma_start3A = tpu.memref_slice %arg3[%mul3A_153] : memref<15520xi32, #tpu.memory_space<hbm>> -> memref<16xi32, #tpu.memory_space<hbm>>
        %dma_start3A_159 = tpu.memref_slice %arg3[%mul3A_153] : memref<15520xi32, #tpu.memory_space<hbm>> -> memref<16xi32, #tpu.memory_space<hbm>>
        tpu.enqueue_dma source(%arg5 : memref<16xi32, #tpu.memory_space<vmem>>) target(%dma_start3A_159 : memref<16xi32, #tpu.memory_space<hbm>>) target_semaphore(%run_scoped3A : memref<!tpu.dma_semaphore, #tpu.memory_space<semaphore_mem>>)
        %dma_wait3A = tpu.memref_slice %arg3[%mul3A_153] : memref<15520xi32, #tpu.memory_space<hbm>> -> memref<16xi32, #tpu.memory_space<hbm>>
        %dma_wait3A_160 = tpu.memref_slice %arg3[%mul3A_153] : memref<15520xi32, #tpu.memory_space<hbm>> -> memref<16xi32, #tpu.memory_space<hbm>>
        tpu.wait_dma2 semaphore(%run_scoped3A : memref<!tpu.dma_semaphore, #tpu.memory_space<semaphore_mem>>) src(%arg5 : memref<16xi32, #tpu.memory_space<vmem>>) dst(%dma_wait3A_160 : memref<16xi32, #tpu.memory_space<hbm>>)
        tpu.yield
      }) : () -> ()
      %swap3A_154 = arith.constant 0 : index
      %swap3A_155 = tpu.vector_load %arg5[%swap3A_154] {strides = array<i32>} : memref<16xi32, #tpu.memory_space<vmem>>, vector<16xi32>,
      tpu.vector_store %arg5[%swap3A_154], %scan3A_117#19 {strides = array<i32>} : memref<16xi32, #tpu.memory_space<vmem>>, vector<16xi32>,
      %mul3A_156 = arith.constant 16 : i32
      %mul3A_157 = arith.muli %add3A_93, %mul3A_156 : i32
      "tpu.region"() ({
        %run_scoped3A = tpu.sem_alloc : memref<!tpu.dma_semaphore, #tpu.memory_space<semaphore_mem>>
        %dma_start3A = tpu.memref_slice %arg3[%mul3A_157] : memref<15520xi32, #tpu.memory_space<hbm>> -> memref<16xi32, #tpu.memory_space<hbm>>
        %dma_start3A_159 = tpu.memref_slice %arg3[%mul3A_157] : memref<15520xi32, #tpu.memory_space<hbm>> -> memref<16xi32, #tpu.memory_space<hbm>>
        tpu.enqueue_dma source(%arg5 : memref<16xi32, #tpu.memory_space<vmem>>) target(%dma_start3A_159 : memref<16xi32, #tpu.memory_space<hbm>>) target_semaphore(%run_scoped3A : memref<!tpu.dma_semaphore, #tpu.memory_space<semaphore_mem>>)
        %dma_wait3A = tpu.memref_slice %arg3[%mul3A_157] : memref<15520xi32, #tpu.memory_space<hbm>> -> memref<16xi32, #tpu.memory_space<hbm>>
        %dma_wait3A_160 = tpu.memref_slice %arg3[%mul3A_157] : memref<15520xi32, #tpu.memory_space<hbm>> -> memref<16xi32, #tpu.memory_space<hbm>>
        tpu.wait_dma2 semaphore(%run_scoped3A : memref<!tpu.dma_semaphore, #tpu.memory_space<semaphore_mem>>) src(%arg5 : memref<16xi32, #tpu.memory_space<vmem>>) dst(%dma_wait3A_160 : memref<16xi32, #tpu.memory_space<hbm>>)
        tpu.yield
      }) : () -> ()
      %while3A_158 = arith.constant 0 : i32
      scf.yield %while3A_158 : i32
    }
    %while3A_36 = arith.constant 1 : i32
    %while3A_37 = scf.for %while3A_40 = %while3A_33 to %while3A_29 step %while3A_36 iter_args(%while3A_41 = %while3A_35) -> (i32)  : i32 {
      %mul3A_42 = arith.constant 10 : i32
      %mul3A_43 = arith.muli %mul3A_42, %while3A_40 : i32
      %add3A_44 = arith.constant 0 : i32
      %add3A_45 = arith.addi %mul3A_43, %add3A_44 : i32
      %mul3A_46 = arith.constant 32 : i32
      %mul3A_47 = arith.muli %mul3A_46, %add3A_45 : i32
      %add3A_48 = arith.addi %add3A, %mul3A_47 : i32
      %add3A_49 = arith.constant 1 : i32
      %add3A_50 = arith.addi %mul3A_43, %add3A_49 : i32
      %mul3A_51 = arith.constant 32 : i32
      %mul3A_52 = arith.muli %mul3A_51, %add3A_50 : i32
      %add3A_53 = arith.addi %add3A, %mul3A_52 : i32
      %add3A_54 = arith.constant 2 : i32
      %add3A_55 = arith.addi %mul3A_43, %add3A_54 : i32
      %mul3A_56 = arith.constant 32 : i32
      %mul3A_57 = arith.muli %mul3A_56, %add3A_55 : i32
      %add3A_58 = arith.addi %add3A, %mul3A_57 : i32
      %add3A_59 = arith.constant 3 : i32
      %add3A_60 = arith.addi %mul3A_43, %add3A_59 : i32
      %mul3A_61 = arith.constant 32 : i32
      %mul3A_62 = arith.muli %mul3A_61, %add3A_60 : i32
      %add3A_63 = arith.addi %add3A, %mul3A_62 : i32
      %add3A_64 = arith.constant 4 : i32
      %add3A_65 = arith.addi %mul3A_43, %add3A_64 : i32
      %mul3A_66 = arith.constant 32 : i32
      %mul3A_67 = arith.muli %mul3A_66, %add3A_65 : i32
      %add3A_68 = arith.addi %add3A, %mul3A_67 : i32
      %add3A_69 = arith.constant 5 : i32
      %add3A_70 = arith.addi %mul3A_43, %add3A_69 : i32
      %mul3A_71 = arith.constant 32 : i32
      %mul3A_72 = arith.muli %mul3A_71, %add3A_70 : i32
      %add3A_73 = arith.addi %add3A, %mul3A_72 : i32
      %add3A_74 = arith.constant 6 : i32
      %add3A_75 = arith.addi %mul3A_43, %add3A_74 : i32
      %mul3A_76 = arith.constant 32 : i32
      %mul3A_77 = arith.muli %mul3A_76, %add3A_75 : i32
      %add3A_78 = arith.addi %add3A, %mul3A_77 : i32
      %add3A_79 = arith.constant 7 : i32
      %add3A_80 = arith.addi %mul3A_43, %add3A_79 : i32
      %mul3A_81 = arith.constant 32 : i32
      %mul3A_82 = arith.muli %mul3A_81, %add3A_80 : i32
      %add3A_83 = arith.addi %add3A, %mul3A_82 : i32
      %add3A_84 = arith.constant 8 : i32
      %add3A_85 = arith.addi %mul3A_43, %add3A_84 : i32
      %mul3A_86 = arith.constant 32 : i32
      %mul3A_87 = arith.muli %mul3A_86, %add3A_85 : i32
      %add3A_88 = arith.addi %add3A, %mul3A_87 : i32
      %add3A_89 = arith.constant 9 : i32
      %add3A_90 = arith.addi %mul3A_43, %add3A_89 : i32
      %mul3A_91 = arith.constant 32 : i32
      %mul3A_92 = arith.muli %mul3A_91, %add3A_90 : i32
      %add3A_93 = arith.addi %add3A, %mul3A_92 : i32
      %mul3A_94 = arith.constant 1024 : i32
      %mul3A_95 = arith.muli %add3A_48, %mul3A_94 : i32
      "tpu.region"() ({
        %run_scoped3A = tpu.sem_alloc : memref<!tpu.dma_semaphore, #tpu.memory_space<semaphore_mem>>
        %dma_start3A = arith.constant 0 : i32
        %dma_start3A_159 = tpu.memref_slice %arg4[%dma_start3A] : memref<9760xf32, #tpu.memory_space<vmem>> -> memref<976xf32, #tpu.memory_space<vmem>>
        %dma_start3A_160 = tpu.memref_slice %arg2[%mul3A_95] : memref<999424xf32, #tpu.memory_space<hbm>> -> memref<976xf32, #tpu.memory_space<hbm>>
        %dma_start3A_161 = arith.constant 0 : i32
        %dma_start3A_162 = tpu.memref_slice %arg4[%dma_start3A_161] : memref<9760xf32, #tpu.memory_space<vmem>> -> memref<976xf32, #tpu.memory_space<vmem>>
        %dma_start3A_163 = tpu.memref_slice %arg2[%mul3A_95] : memref<999424xf32, #tpu.memory_space<hbm>> -> memref<976xf32, #tpu.memory_space<hbm>>
        tpu.enqueue_dma source(%dma_start3A_163 : memref<976xf32, #tpu.memory_space<hbm>>) target(%dma_start3A_162 : memref<976xf32, #tpu.memory_space<vmem>>) target_semaphore(%run_scoped3A : memref<!tpu.dma_semaphore, #tpu.memory_space<semaphore_mem>>)
        %dma_wait3A = arith.constant 0 : i32
        %dma_wait3A_164 = tpu.memref_slice %arg4[%dma_wait3A] : memref<9760xf32, #tpu.memory_space<vmem>> -> memref<976xf32, #tpu.memory_space<vmem>>
        %dma_wait3A_165 = tpu.memref_slice %arg2[%mul3A_95] : memref<999424xf32, #tpu.memory_space<hbm>> -> memref<976xf32, #tpu.memory_space<hbm>>
        %dma_wait3A_166 = arith.constant 0 : i32
        %dma_wait3A_167 = tpu.memref_slice %arg4[%dma_wait3A_166] : memref<9760xf32, #tpu.memory_space<vmem>> -> memref<976xf32, #tpu.memory_space<vmem>>
        %dma_wait3A_168 = tpu.memref_slice %arg2[%mul3A_95] : memref<999424xf32, #tpu.memory_space<hbm>> -> memref<976xf32, #tpu.memory_space<hbm>>
        tpu.wait_dma2 semaphore(%run_scoped3A : memref<!tpu.dma_semaphore, #tpu.memory_space<semaphore_mem>>) src(%dma_wait3A_168 : memref<976xf32, #tpu.memory_space<hbm>>) dst(%dma_wait3A_167 : memref<976xf32, #tpu.memory_space<vmem>>)
        tpu.yield
      }) : () -> ()
      %mul3A_96 = arith.constant 1024 : i32
      %mul3A_97 = arith.muli %add3A_53, %mul3A_96 : i32
      "tpu.region"() ({
        %run_scoped3A = tpu.sem_alloc : memref<!tpu.dma_semaphore, #tpu.memory_space<semaphore_mem>>
        %dma_start3A = arith.constant 976 : i32
        %dma_start3A_159 = tpu.memref_slice %arg4[%dma_start3A] : memref<9760xf32, #tpu.memory_space<vmem>> -> memref<976xf32, #tpu.memory_space<vmem>>
        %dma_start3A_160 = tpu.memref_slice %arg2[%mul3A_97] : memref<999424xf32, #tpu.memory_space<hbm>> -> memref<976xf32, #tpu.memory_space<hbm>>
        %dma_start3A_161 = arith.constant 976 : i32
        %dma_start3A_162 = tpu.memref_slice %arg4[%dma_start3A_161] : memref<9760xf32, #tpu.memory_space<vmem>> -> memref<976xf32, #tpu.memory_space<vmem>>
        %dma_start3A_163 = tpu.memref_slice %arg2[%mul3A_97] : memref<999424xf32, #tpu.memory_space<hbm>> -> memref<976xf32, #tpu.memory_space<hbm>>
        tpu.enqueue_dma source(%dma_start3A_163 : memref<976xf32, #tpu.memory_space<hbm>>) target(%dma_start3A_162 : memref<976xf32, #tpu.memory_space<vmem>>) target_semaphore(%run_scoped3A : memref<!tpu.dma_semaphore, #tpu.memory_space<semaphore_mem>>)
        %dma_wait3A = arith.constant 976 : i32
        %dma_wait3A_164 = tpu.memref_slice %arg4[%dma_wait3A] : memref<9760xf32, #tpu.memory_space<vmem>> -> memref<976xf32, #tpu.memory_space<vmem>>
        %dma_wait3A_165 = tpu.memref_slice %arg2[%mul3A_97] : memref<999424xf32, #tpu.memory_space<hbm>> -> memref<976xf32, #tpu.memory_space<hbm>>
        %dma_wait3A_166 = arith.constant 976 : i32
        %dma_wait3A_167 = tpu.memref_slice %arg4[%dma_wait3A_166] : memref<9760xf32, #tpu.memory_space<vmem>> -> memref<976xf32, #tpu.memory_space<vmem>>
        %dma_wait3A_168 = tpu.memref_slice %arg2[%mul3A_97] : memref<999424xf32, #tpu.memory_space<hbm>> -> memref<976xf32, #tpu.memory_space<hbm>>
        tpu.wait_dma2 semaphore(%run_scoped3A : memref<!tpu.dma_semaphore, #tpu.memory_space<semaphore_mem>>) src(%dma_wait3A_168 : memref<976xf32, #tpu.memory_space<hbm>>) dst(%dma_wait3A_167 : memref<976xf32, #tpu.memory_space<vmem>>)
        tpu.yield
      }) : () -> ()
      %mul3A_98 = arith.constant 1024 : i32
      %mul3A_99 = arith.muli %add3A_58, %mul3A_98 : i32
      "tpu.region"() ({
        %run_scoped3A = tpu.sem_alloc : memref<!tpu.dma_semaphore, #tpu.memory_space<semaphore_mem>>
        %dma_start3A = arith.constant 1952 : i32
        %dma_start3A_159 = tpu.memref_slice %arg4[%dma_start3A] : memref<9760xf32, #tpu.memory_space<vmem>> -> memref<976xf32, #tpu.memory_space<vmem>>
        %dma_start3A_160 = tpu.memref_slice %arg2[%mul3A_99] : memref<999424xf32, #tpu.memory_space<hbm>> -> memref<976xf32, #tpu.memory_space<hbm>>
        %dma_start3A_161 = arith.constant 1952 : i32
        %dma_start3A_162 = tpu.memref_slice %arg4[%dma_start3A_161] : memref<9760xf32, #tpu.memory_space<vmem>> -> memref<976xf32, #tpu.memory_space<vmem>>
        %dma_start3A_163 = tpu.memref_slice %arg2[%mul3A_99] : memref<999424xf32, #tpu.memory_space<hbm>> -> memref<976xf32, #tpu.memory_space<hbm>>
        tpu.enqueue_dma source(%dma_start3A_163 : memref<976xf32, #tpu.memory_space<hbm>>) target(%dma_start3A_162 : memref<976xf32, #tpu.memory_space<vmem>>) target_semaphore(%run_scoped3A : memref<!tpu.dma_semaphore, #tpu.memory_space<semaphore_mem>>)
        %dma_wait3A = arith.constant 1952 : i32
        %dma_wait3A_164 = tpu.memref_slice %arg4[%dma_wait3A] : memref<9760xf32, #tpu.memory_space<vmem>> -> memref<976xf32, #tpu.memory_space<vmem>>
        %dma_wait3A_165 = tpu.memref_slice %arg2[%mul3A_99] : memref<999424xf32, #tpu.memory_space<hbm>> -> memref<976xf32, #tpu.memory_space<hbm>>
        %dma_wait3A_166 = arith.constant 1952 : i32
        %dma_wait3A_167 = tpu.memref_slice %arg4[%dma_wait3A_166] : memref<9760xf32, #tpu.memory_space<vmem>> -> memref<976xf32, #tpu.memory_space<vmem>>
        %dma_wait3A_168 = tpu.memref_slice %arg2[%mul3A_99] : memref<999424xf32, #tpu.memory_space<hbm>> -> memref<976xf32, #tpu.memory_space<hbm>>
        tpu.wait_dma2 semaphore(%run_scoped3A : memref<!tpu.dma_semaphore, #tpu.memory_space<semaphore_mem>>) src(%dma_wait3A_168 : memref<976xf32, #tpu.memory_space<hbm>>) dst(%dma_wait3A_167 : memref<976xf32, #tpu.memory_space<vmem>>)
        tpu.yield
      }) : () -> ()
      %mul3A_100 = arith.constant 1024 : i32
      %mul3A_101 = arith.muli %add3A_63, %mul3A_100 : i32
      "tpu.region"() ({
        %run_scoped3A = tpu.sem_alloc : memref<!tpu.dma_semaphore, #tpu.memory_space<semaphore_mem>>
        %dma_start3A = arith.constant 2928 : i32
        %dma_start3A_159 = tpu.memref_slice %arg4[%dma_start3A] : memref<9760xf32, #tpu.memory_space<vmem>> -> memref<976xf32, #tpu.memory_space<vmem>>
        %dma_start3A_160 = tpu.memref_slice %arg2[%mul3A_101] : memref<999424xf32, #tpu.memory_space<hbm>> -> memref<976xf32, #tpu.memory_space<hbm>>
        %dma_start3A_161 = arith.constant 2928 : i32
        %dma_start3A_162 = tpu.memref_slice %arg4[%dma_start3A_161] : memref<9760xf32, #tpu.memory_space<vmem>> -> memref<976xf32, #tpu.memory_space<vmem>>
        %dma_start3A_163 = tpu.memref_slice %arg2[%mul3A_101] : memref<999424xf32, #tpu.memory_space<hbm>> -> memref<976xf32, #tpu.memory_space<hbm>>
        tpu.enqueue_dma source(%dma_start3A_163 : memref<976xf32, #tpu.memory_space<hbm>>) target(%dma_start3A_162 : memref<976xf32, #tpu.memory_space<vmem>>) target_semaphore(%run_scoped3A : memref<!tpu.dma_semaphore, #tpu.memory_space<semaphore_mem>>)
        %dma_wait3A = arith.constant 2928 : i32
        %dma_wait3A_164 = tpu.memref_slice %arg4[%dma_wait3A] : memref<9760xf32, #tpu.memory_space<vmem>> -> memref<976xf32, #tpu.memory_space<vmem>>
        %dma_wait3A_165 = tpu.memref_slice %arg2[%mul3A_101] : memref<999424xf32, #tpu.memory_space<hbm>> -> memref<976xf32, #tpu.memory_space<hbm>>
        %dma_wait3A_166 = arith.constant 2928 : i32
        %dma_wait3A_167 = tpu.memref_slice %arg4[%dma_wait3A_166] : memref<9760xf32, #tpu.memory_space<vmem>> -> memref<976xf32, #tpu.memory_space<vmem>>
        %dma_wait3A_168 = tpu.memref_slice %arg2[%mul3A_101] : memref<999424xf32, #tpu.memory_space<hbm>> -> memref<976xf32, #tpu.memory_space<hbm>>
        tpu.wait_dma2 semaphore(%run_scoped3A : memref<!tpu.dma_semaphore, #tpu.memory_space<semaphore_mem>>) src(%dma_wait3A_168 : memref<976xf32, #tpu.memory_space<hbm>>) dst(%dma_wait3A_167 : memref<976xf32, #tpu.memory_space<vmem>>)
        tpu.yield
      }) : () -> ()
      %mul3A_102 = arith.constant 1024 : i32
      %mul3A_103 = arith.muli %add3A_68, %mul3A_102 : i32
      "tpu.region"() ({
        %run_scoped3A = tpu.sem_alloc : memref<!tpu.dma_semaphore, #tpu.memory_space<semaphore_mem>>
        %dma_start3A = arith.constant 3904 : i32
        %dma_start3A_159 = tpu.memref_slice %arg4[%dma_start3A] : memref<9760xf32, #tpu.memory_space<vmem>> -> memref<976xf32, #tpu.memory_space<vmem>>
        %dma_start3A_160 = tpu.memref_slice %arg2[%mul3A_103] : memref<999424xf32, #tpu.memory_space<hbm>> -> memref<976xf32, #tpu.memory_space<hbm>>
        %dma_start3A_161 = arith.constant 3904 : i32
        %dma_start3A_162 = tpu.memref_slice %arg4[%dma_start3A_161] : memref<9760xf32, #tpu.memory_space<vmem>> -> memref<976xf32, #tpu.memory_space<vmem>>
        %dma_start3A_163 = tpu.memref_slice %arg2[%mul3A_103] : memref<999424xf32, #tpu.memory_space<hbm>> -> memref<976xf32, #tpu.memory_space<hbm>>
        tpu.enqueue_dma source(%dma_start3A_163 : memref<976xf32, #tpu.memory_space<hbm>>) target(%dma_start3A_162 : memref<976xf32, #tpu.memory_space<vmem>>) target_semaphore(%run_scoped3A : memref<!tpu.dma_semaphore, #tpu.memory_space<semaphore_mem>>)
        %dma_wait3A = arith.constant 3904 : i32
        %dma_wait3A_164 = tpu.memref_slice %arg4[%dma_wait3A] : memref<9760xf32, #tpu.memory_space<vmem>> -> memref<976xf32, #tpu.memory_space<vmem>>
        %dma_wait3A_165 = tpu.memref_slice %arg2[%mul3A_103] : memref<999424xf32, #tpu.memory_space<hbm>> -> memref<976xf32, #tpu.memory_space<hbm>>
        %dma_wait3A_166 = arith.constant 3904 : i32
        %dma_wait3A_167 = tpu.memref_slice %arg4[%dma_wait3A_166] : memref<9760xf32, #tpu.memory_space<vmem>> -> memref<976xf32, #tpu.memory_space<vmem>>
        %dma_wait3A_168 = tpu.memref_slice %arg2[%mul3A_103] : memref<999424xf32, #tpu.memory_space<hbm>> -> memref<976xf32, #tpu.memory_space<hbm>>
        tpu.wait_dma2 semaphore(%run_scoped3A : memref<!tpu.dma_semaphore, #tpu.memory_space<semaphore_mem>>) src(%dma_wait3A_168 : memref<976xf32, #tpu.memory_space<hbm>>) dst(%dma_wait3A_167 : memref<976xf32, #tpu.memory_space<vmem>>)
        tpu.yield
      }) : () -> ()
      %mul3A_104 = arith.constant 1024 : i32
      %mul3A_105 = arith.muli %add3A_73, %mul3A_104 : i32
      "tpu.region"() ({
        %run_scoped3A = tpu.sem_alloc : memref<!tpu.dma_semaphore, #tpu.memory_space<semaphore_mem>>
        %dma_start3A = arith.constant 4880 : i32
        %dma_start3A_159 = tpu.memref_slice %arg4[%dma_start3A] : memref<9760xf32, #tpu.memory_space<vmem>> -> memref<976xf32, #tpu.memory_space<vmem>>
        %dma_start3A_160 = tpu.memref_slice %arg2[%mul3A_105] : memref<999424xf32, #tpu.memory_space<hbm>> -> memref<976xf32, #tpu.memory_space<hbm>>
        %dma_start3A_161 = arith.constant 4880 : i32
        %dma_start3A_162 = tpu.memref_slice %arg4[%dma_start3A_161] : memref<9760xf32, #tpu.memory_space<vmem>> -> memref<976xf32, #tpu.memory_space<vmem>>
        %dma_start3A_163 = tpu.memref_slice %arg2[%mul3A_105] : memref<999424xf32, #tpu.memory_space<hbm>> -> memref<976xf32, #tpu.memory_space<hbm>>
        tpu.enqueue_dma source(%dma_start3A_163 : memref<976xf32, #tpu.memory_space<hbm>>) target(%dma_start3A_162 : memref<976xf32, #tpu.memory_space<vmem>>) target_semaphore(%run_scoped3A : memref<!tpu.dma_semaphore, #tpu.memory_space<semaphore_mem>>)
        %dma_wait3A = arith.constant 4880 : i32
        %dma_wait3A_164 = tpu.memref_slice %arg4[%dma_wait3A] : memref<9760xf32, #tpu.memory_space<vmem>> -> memref<976xf32, #tpu.memory_space<vmem>>
        %dma_wait3A_165 = tpu.memref_slice %arg2[%mul3A_105] : memref<999424xf32, #tpu.memory_space<hbm>> -> memref<976xf32, #tpu.memory_space<hbm>>
        %dma_wait3A_166 = arith.constant 4880 : i32
        %dma_wait3A_167 = tpu.memref_slice %arg4[%dma_wait3A_166] : memref<9760xf32, #tpu.memory_space<vmem>> -> memref<976xf32, #tpu.memory_space<vmem>>
        %dma_wait3A_168 = tpu.memref_slice %arg2[%mul3A_105] : memref<999424xf32, #tpu.memory_space<hbm>> -> memref<976xf32, #tpu.memory_space<hbm>>
        tpu.wait_dma2 semaphore(%run_scoped3A : memref<!tpu.dma_semaphore, #tpu.memory_space<semaphore_mem>>) src(%dma_wait3A_168 : memref<976xf32, #tpu.memory_space<hbm>>) dst(%dma_wait3A_167 : memref<976xf32, #tpu.memory_space<vmem>>)
        tpu.yield
      }) : () -> ()
      %mul3A_106 = arith.constant 1024 : i32
      %mul3A_107 = arith.muli %add3A_78, %mul3A_106 : i32
      "tpu.region"() ({
        %run_scoped3A = tpu.sem_alloc : memref<!tpu.dma_semaphore, #tpu.memory_space<semaphore_mem>>
        %dma_start3A = arith.constant 5856 : i32
        %dma_start3A_159 = tpu.memref_slice %arg4[%dma_start3A] : memref<9760xf32, #tpu.memory_space<vmem>> -> memref<976xf32, #tpu.memory_space<vmem>>
        %dma_start3A_160 = tpu.memref_slice %arg2[%mul3A_107] : memref<999424xf32, #tpu.memory_space<hbm>> -> memref<976xf32, #tpu.memory_space<hbm>>
        %dma_start3A_161 = arith.constant 5856 : i32
        %dma_start3A_162 = tpu.memref_slice %arg4[%dma_start3A_161] : memref<9760xf32, #tpu.memory_space<vmem>> -> memref<976xf32, #tpu.memory_space<vmem>>
        %dma_start3A_163 = tpu.memref_slice %arg2[%mul3A_107] : memref<999424xf32, #tpu.memory_space<hbm>> -> memref<976xf32, #tpu.memory_space<hbm>>
        tpu.enqueue_dma source(%dma_start3A_163 : memref<976xf32, #tpu.memory_space<hbm>>) target(%dma_start3A_162 : memref<976xf32, #tpu.memory_space<vmem>>) target_semaphore(%run_scoped3A : memref<!tpu.dma_semaphore, #tpu.memory_space<semaphore_mem>>)
        %dma_wait3A = arith.constant 5856 : i32
        %dma_wait3A_164 = tpu.memref_slice %arg4[%dma_wait3A] : memref<9760xf32, #tpu.memory_space<vmem>> -> memref<976xf32, #tpu.memory_space<vmem>>
        %dma_wait3A_165 = tpu.memref_slice %arg2[%mul3A_107] : memref<999424xf32, #tpu.memory_space<hbm>> -> memref<976xf32, #tpu.memory_space<hbm>>
        %dma_wait3A_166 = arith.constant 5856 : i32
        %dma_wait3A_167 = tpu.memref_slice %arg4[%dma_wait3A_166] : memref<9760xf32, #tpu.memory_space<vmem>> -> memref<976xf32, #tpu.memory_space<vmem>>
        %dma_wait3A_168 = tpu.memref_slice %arg2[%mul3A_107] : memref<999424xf32, #tpu.memory_space<hbm>> -> memref<976xf32, #tpu.memory_space<hbm>>
        tpu.wait_dma2 semaphore(%run_scoped3A : memref<!tpu.dma_semaphore, #tpu.memory_space<semaphore_mem>>) src(%dma_wait3A_168 : memref<976xf32, #tpu.memory_space<hbm>>) dst(%dma_wait3A_167 : memref<976xf32, #tpu.memory_space<vmem>>)
        tpu.yield
      }) : () -> ()
      %mul3A_108 = arith.constant 1024 : i32
      %mul3A_109 = arith.muli %add3A_83, %mul3A_108 : i32
      "tpu.region"() ({
        %run_scoped3A = tpu.sem_alloc : memref<!tpu.dma_semaphore, #tpu.memory_space<semaphore_mem>>
        %dma_start3A = arith.constant 6832 : i32
        %dma_start3A_159 = tpu.memref_slice %arg4[%dma_start3A] : memref<9760xf32, #tpu.memory_space<vmem>> -> memref<976xf32, #tpu.memory_space<vmem>>
        %dma_start3A_160 = tpu.memref_slice %arg2[%mul3A_109] : memref<999424xf32, #tpu.memory_space<hbm>> -> memref<976xf32, #tpu.memory_space<hbm>>
        %dma_start3A_161 = arith.constant 6832 : i32
        %dma_start3A_162 = tpu.memref_slice %arg4[%dma_start3A_161] : memref<9760xf32, #tpu.memory_space<vmem>> -> memref<976xf32, #tpu.memory_space<vmem>>
        %dma_start3A_163 = tpu.memref_slice %arg2[%mul3A_109] : memref<999424xf32, #tpu.memory_space<hbm>> -> memref<976xf32, #tpu.memory_space<hbm>>
        tpu.enqueue_dma source(%dma_start3A_163 : memref<976xf32, #tpu.memory_space<hbm>>) target(%dma_start3A_162 : memref<976xf32, #tpu.memory_space<vmem>>) target_semaphore(%run_scoped3A : memref<!tpu.dma_semaphore, #tpu.memory_space<semaphore_mem>>)
        %dma_wait3A = arith.constant 6832 : i32
        %dma_wait3A_164 = tpu.memref_slice %arg4[%dma_wait3A] : memref<9760xf32, #tpu.memory_space<vmem>> -> memref<976xf32, #tpu.memory_space<vmem>>
        %dma_wait3A_165 = tpu.memref_slice %arg2[%mul3A_109] : memref<999424xf32, #tpu.memory_space<hbm>> -> memref<976xf32, #tpu.memory_space<hbm>>
        %dma_wait3A_166 = arith.constant 6832 : i32
        %dma_wait3A_167 = tpu.memref_slice %arg4[%dma_wait3A_166] : memref<9760xf32, #tpu.memory_space<vmem>> -> memref<976xf32, #tpu.memory_space<vmem>>
        %dma_wait3A_168 = tpu.memref_slice %arg2[%mul3A_109] : memref<999424xf32, #tpu.memory_space<hbm>> -> memref<976xf32, #tpu.memory_space<hbm>>
        tpu.wait_dma2 semaphore(%run_scoped3A : memref<!tpu.dma_semaphore, #tpu.memory_space<semaphore_mem>>) src(%dma_wait3A_168 : memref<976xf32, #tpu.memory_space<hbm>>) dst(%dma_wait3A_167 : memref<976xf32, #tpu.memory_space<vmem>>)
        tpu.yield
      }) : () -> ()
      %mul3A_110 = arith.constant 1024 : i32
      %mul3A_111 = arith.muli %add3A_88, %mul3A_110 : i32
      "tpu.region"() ({
        %run_scoped3A = tpu.sem_alloc : memref<!tpu.dma_semaphore, #tpu.memory_space<semaphore_mem>>
        %dma_start3A = arith.constant 7808 : i32
        %dma_start3A_159 = tpu.memref_slice %arg4[%dma_start3A] : memref<9760xf32, #tpu.memory_space<vmem>> -> memref<976xf32, #tpu.memory_space<vmem>>
        %dma_start3A_160 = tpu.memref_slice %arg2[%mul3A_111] : memref<999424xf32, #tpu.memory_space<hbm>> -> memref<976xf32, #tpu.memory_space<hbm>>
        %dma_start3A_161 = arith.constant 7808 : i32
        %dma_start3A_162 = tpu.memref_slice %arg4[%dma_start3A_161] : memref<9760xf32, #tpu.memory_space<vmem>> -> memref<976xf32, #tpu.memory_space<vmem>>
        %dma_start3A_163 = tpu.memref_slice %arg2[%mul3A_111] : memref<999424xf32, #tpu.memory_space<hbm>> -> memref<976xf32, #tpu.memory_space<hbm>>
        tpu.enqueue_dma source(%dma_start3A_163 : memref<976xf32, #tpu.memory_space<hbm>>) target(%dma_start3A_162 : memref<976xf32, #tpu.memory_space<vmem>>) target_semaphore(%run_scoped3A : memref<!tpu.dma_semaphore, #tpu.memory_space<semaphore_mem>>)
        %dma_wait3A = arith.constant 7808 : i32
        %dma_wait3A_164 = tpu.memref_slice %arg4[%dma_wait3A] : memref<9760xf32, #tpu.memory_space<vmem>> -> memref<976xf32, #tpu.memory_space<vmem>>
        %dma_wait3A_165 = tpu.memref_slice %arg2[%mul3A_111] : memref<999424xf32, #tpu.memory_space<hbm>> -> memref<976xf32, #tpu.memory_space<hbm>>
        %dma_wait3A_166 = arith.constant 7808 : i32
        %dma_wait3A_167 = tpu.memref_slice %arg4[%dma_wait3A_166] : memref<9760xf32, #tpu.memory_space<vmem>> -> memref<976xf32, #tpu.memory_space<vmem>>
        %dma_wait3A_168 = tpu.memref_slice %arg2[%mul3A_111] : memref<999424xf32, #tpu.memory_space<hbm>> -> memref<976xf32, #tpu.memory_space<hbm>>
        tpu.wait_dma2 semaphore(%run_scoped3A : memref<!tpu.dma_semaphore, #tpu.memory_space<semaphore_mem>>) src(%dma_wait3A_168 : memref<976xf32, #tpu.memory_space<hbm>>) dst(%dma_wait3A_167 : memref<976xf32, #tpu.memory_space<vmem>>)
        tpu.yield
      }) : () -> ()
      %mul3A_112 = arith.constant 1024 : i32
      %mul3A_113 = arith.muli %add3A_93, %mul3A_112 : i32
      "tpu.region"() ({
        %run_scoped3A = tpu.sem_alloc : memref<!tpu.dma_semaphore, #tpu.memory_space<semaphore_mem>>
        %dma_start3A = arith.constant 8784 : i32
        %dma_start3A_159 = tpu.memref_slice %arg4[%dma_start3A] : memref<9760xf32, #tpu.memory_space<vmem>> -> memref<976xf32, #tpu.memory_space<vmem>>
        %dma_start3A_160 = tpu.memref_slice %arg2[%mul3A_113] : memref<999424xf32, #tpu.memory_space<hbm>> -> memref<976xf32, #tpu.memory_space<hbm>>
        %dma_start3A_161 = arith.constant 8784 : i32
        %dma_start3A_162 = tpu.memref_slice %arg4[%dma_start3A_161] : memref<9760xf32, #tpu.memory_space<vmem>> -> memref<976xf32, #tpu.memory_space<vmem>>
        %dma_start3A_163 = tpu.memref_slice %arg2[%mul3A_113] : memref<999424xf32, #tpu.memory_space<hbm>> -> memref<976xf32, #tpu.memory_space<hbm>>
        tpu.enqueue_dma source(%dma_start3A_163 : memref<976xf32, #tpu.memory_space<hbm>>) target(%dma_start3A_162 : memref<976xf32, #tpu.memory_space<vmem>>) target_semaphore(%run_scoped3A : memref<!tpu.dma_semaphore, #tpu.memory_space<semaphore_mem>>)
        %dma_wait3A = arith.constant 8784 : i32
        %dma_wait3A_164 = tpu.memref_slice %arg4[%dma_wait3A] : memref<9760xf32, #tpu.memory_space<vmem>> -> memref<976xf32, #tpu.memory_space<vmem>>
        %dma_wait3A_165 = tpu.memref_slice %arg2[%mul3A_113] : memref<999424xf32, #tpu.memory_space<hbm>> -> memref<976xf32, #tpu.memory_space<hbm>>
        %dma_wait3A_166 = arith.constant 8784 : i32
        %dma_wait3A_167 = tpu.memref_slice %arg4[%dma_wait3A_166] : memref<9760xf32, #tpu.memory_space<vmem>> -> memref<976xf32, #tpu.memory_space<vmem>>
        %dma_wait3A_168 = tpu.memref_slice %arg2[%mul3A_113] : memref<999424xf32, #tpu.memory_space<hbm>> -> memref<976xf32, #tpu.memory_space<hbm>>
        tpu.wait_dma2 semaphore(%run_scoped3A : memref<!tpu.dma_semaphore, #tpu.memory_space<semaphore_mem>>) src(%dma_wait3A_168 : memref<976xf32, #tpu.memory_space<hbm>>) dst(%dma_wait3A_167 : memref<976xf32, #tpu.memory_space<vmem>>)
        tpu.yield
      }) : () -> ()
      %scan3A = arith.constant 0 : i32
      %scan3A_114 = arith.constant 61 : i32
      %scan3A_115 = arith.addi %scan3A, %scan3A_114 : i32
      %scan3A_116 = arith.constant 1 : i32
      %scan3A_117:20 = scf.for %scan3A_159 = %scan3A to %scan3A_115 step %scan3A_116 iter_args(%scan3A_160 = %broadcast_in_dim3A_3, %scan3A_161 = %broadcast_in_dim3A_5, %scan3A_162 = %broadcast_in_dim3A_3, %scan3A_163 = %broadcast_in_dim3A_5, %scan3A_164 = %broadcast_in_dim3A_3, %scan3A_165 = %broadcast_in_dim3A_5, %scan3A_166 = %broadcast_in_dim3A_3, %scan3A_167 = %broadcast_in_dim3A_5, %scan3A_168 = %broadcast_in_dim3A_3, %scan3A_169 = %broadcast_in_dim3A_5, %scan3A_170 = %broadcast_in_dim3A_3, %scan3A_171 = %broadcast_in_dim3A_5, %scan3A_172 = %broadcast_in_dim3A_3, %scan3A_173 = %broadcast_in_dim3A_5, %scan3A_174 = %broadcast_in_dim3A_3, %scan3A_175 = %broadcast_in_dim3A_5, %scan3A_176 = %broadcast_in_dim3A_3, %scan3A_177 = %broadcast_in_dim3A_5, %scan3A_178 = %broadcast_in_dim3A_3, %scan3A_179 = %broadcast_in_dim3A_5) -> (vector<16xf32>, vector<16xi32>, vector<16xf32>, vector<16xi32>, vector<16xf32>, vector<16xi32>, vector<16xf32>, vector<16xi32>, vector<16xf32>, vector<16xi32>, vector<16xf32>, vector<16xi32>, vector<16xf32>, vector<16xi32>, vector<16xf32>, vector<16xi32>, vector<16xf32>, vector<16xi32>, vector<16xf32>, vector<16xi32>)  : i32 {
        %mul3A_180 = arith.constant 16 : i32
        %mul3A_181 = arith.muli %scan3A_159, %mul3A_180 : i32
        %add3A_182 = vector.broadcast %mul3A_181 : i32 to vector<16xi32>
        %add3A_183 = arith.addi %add3A_182, %iota3A : vector<16xi32>
        %add3A_184 = arith.constant 0 : i32
        %add3A_185 = arith.addi %add3A_184, %mul3A_181 : i32
        %get3A = arith.index_cast %add3A_185 : i32 to index
        %get3A_186 = tpu.vector_load %arg4[%get3A] {strides = array<i32>} : memref<9760xf32, #tpu.memory_space<vmem>>, vector<16xf32>,
        %masked_sort3A = arith.constant dense<true> : vector<16xi1>
        %masked_sort3A_187, %masked_sort3A_188, %masked_sort3A_189 = tpu.sort %get3A_186, %add3A_183 masked %masked_sort3A : (vector<16xf32>, vector<16xi32>, vector<16xi1>) -> (vector<16xi1>, vector<16xf32>, vector<16xi32>)
        %gt3A = arith.cmpf ogt, %scan3A_160, %masked_sort3A_188 : vector<16xf32>
        %eq3A_190 = arith.cmpf oeq, %scan3A_160, %masked_sort3A_188 : vector<16xf32>
        %lt3A_191 = arith.cmpi slt, %scan3A_161, %masked_sort3A_189 : vector<16xi32>
        %and3A_192 = arith.andi %eq3A_190, %lt3A_191 : vector<16xi1>
        %or3A = arith.ori %gt3A, %and3A_192 : vector<16xi1>
        %select_n3A_193 = arith.select %or3A, %scan3A_160, %masked_sort3A_188 : vector<16xi1>, vector<16xf32>
        %select_n3A_194 = arith.select %or3A, %scan3A_161, %masked_sort3A_189 : vector<16xi1>, vector<16xi32>
        %masked_sort3A_195 = arith.constant dense<true> : vector<16xi1>
        %masked_sort3A_196, %masked_sort3A_197, %masked_sort3A_198 = tpu.sort %select_n3A_193, %select_n3A_194 masked %masked_sort3A_195 {descending = true} : (vector<16xf32>, vector<16xi32>, vector<16xi1>) -> (vector<16xi1>, vector<16xf32>, vector<16xi32>)
        %add3A_199 = arith.constant 976 : i32
        %add3A_200 = arith.addi %add3A_199, %mul3A_181 : i32
        %get3A_201 = arith.index_cast %add3A_200 : i32 to index
        %get3A_202 = tpu.vector_load %arg4[%get3A_201] {strides = array<i32>} : memref<9760xf32, #tpu.memory_space<vmem>>, vector<16xf32>,
        %masked_sort3A_203 = arith.constant dense<true> : vector<16xi1>
        %masked_sort3A_204, %masked_sort3A_205, %masked_sort3A_206 = tpu.sort %get3A_202, %add3A_183 masked %masked_sort3A_203 : (vector<16xf32>, vector<16xi32>, vector<16xi1>) -> (vector<16xi1>, vector<16xf32>, vector<16xi32>)
        %gt3A_207 = arith.cmpf ogt, %scan3A_162, %masked_sort3A_205 : vector<16xf32>
        %eq3A_208 = arith.cmpf oeq, %scan3A_162, %masked_sort3A_205 : vector<16xf32>
        %lt3A_209 = arith.cmpi slt, %scan3A_163, %masked_sort3A_206 : vector<16xi32>
        %and3A_210 = arith.andi %eq3A_208, %lt3A_209 : vector<16xi1>
        %or3A_211 = arith.ori %gt3A_207, %and3A_210 : vector<16xi1>
        %select_n3A_212 = arith.select %or3A_211, %scan3A_162, %masked_sort3A_205 : vector<16xi1>, vector<16xf32>
        %select_n3A_213 = arith.select %or3A_211, %scan3A_163, %masked_sort3A_206 : vector<16xi1>, vector<16xi32>
        %masked_sort3A_214 = arith.constant dense<true> : vector<16xi1>
        %masked_sort3A_215, %masked_sort3A_216, %masked_sort3A_217 = tpu.sort %select_n3A_212, %select_n3A_213 masked %masked_sort3A_214 {descending = true} : (vector<16xf32>, vector<16xi32>, vector<16xi1>) -> (vector<16xi1>, vector<16xf32>, vector<16xi32>)
        %add3A_218 = arith.constant 1952 : i32
        %add3A_219 = arith.addi %add3A_218, %mul3A_181 : i32
        %get3A_220 = arith.index_cast %add3A_219 : i32 to index
        %get3A_221 = tpu.vector_load %arg4[%get3A_220] {strides = array<i32>} : memref<9760xf32, #tpu.memory_space<vmem>>, vector<16xf32>,
        %masked_sort3A_222 = arith.constant dense<true> : vector<16xi1>
        %masked_sort3A_223, %masked_sort3A_224, %masked_sort3A_225 = tpu.sort %get3A_221, %add3A_183 masked %masked_sort3A_222 : (vector<16xf32>, vector<16xi32>, vector<16xi1>) -> (vector<16xi1>, vector<16xf32>, vector<16xi32>)
        %gt3A_226 = arith.cmpf ogt, %scan3A_164, %masked_sort3A_224 : vector<16xf32>
        %eq3A_227 = arith.cmpf oeq, %scan3A_164, %masked_sort3A_224 : vector<16xf32>
        %lt3A_228 = arith.cmpi slt, %scan3A_165, %masked_sort3A_225 : vector<16xi32>
        %and3A_229 = arith.andi %eq3A_227, %lt3A_228 : vector<16xi1>
        %or3A_230 = arith.ori %gt3A_226, %and3A_229 : vector<16xi1>
        %select_n3A_231 = arith.select %or3A_230, %scan3A_164, %masked_sort3A_224 : vector<16xi1>, vector<16xf32>
        %select_n3A_232 = arith.select %or3A_230, %scan3A_165, %masked_sort3A_225 : vector<16xi1>, vector<16xi32>
        %masked_sort3A_233 = arith.constant dense<true> : vector<16xi1>
        %masked_sort3A_234, %masked_sort3A_235, %masked_sort3A_236 = tpu.sort %select_n3A_231, %select_n3A_232 masked %masked_sort3A_233 {descending = true} : (vector<16xf32>, vector<16xi32>, vector<16xi1>) -> (vector<16xi1>, vector<16xf32>, vector<16xi32>)
        %add3A_237 = arith.constant 2928 : i32
        %add3A_238 = arith.addi %add3A_237, %mul3A_181 : i32
        %get3A_239 = arith.index_cast %add3A_238 : i32 to index
        %get3A_240 = tpu.vector_load %arg4[%get3A_239] {strides = array<i32>} : memref<9760xf32, #tpu.memory_space<vmem>>, vector<16xf32>,
        %masked_sort3A_241 = arith.constant dense<true> : vector<16xi1>
        %masked_sort3A_242, %masked_sort3A_243, %masked_sort3A_244 = tpu.sort %get3A_240, %add3A_183 masked %masked_sort3A_241 : (vector<16xf32>, vector<16xi32>, vector<16xi1>) -> (vector<16xi1>, vector<16xf32>, vector<16xi32>)
        %gt3A_245 = arith.cmpf ogt, %scan3A_166, %masked_sort3A_243 : vector<16xf32>
        %eq3A_246 = arith.cmpf oeq, %scan3A_166, %masked_sort3A_243 : vector<16xf32>
        %lt3A_247 = arith.cmpi slt, %scan3A_167, %masked_sort3A_244 : vector<16xi32>
        %and3A_248 = arith.andi %eq3A_246, %lt3A_247 : vector<16xi1>
        %or3A_249 = arith.ori %gt3A_245, %and3A_248 : vector<16xi1>
        %select_n3A_250 = arith.select %or3A_249, %scan3A_166, %masked_sort3A_243 : vector<16xi1>, vector<16xf32>
        %select_n3A_251 = arith.select %or3A_249, %scan3A_167, %masked_sort3A_244 : vector<16xi1>, vector<16xi32>
        %masked_sort3A_252 = arith.constant dense<true> : vector<16xi1>
        %masked_sort3A_253, %masked_sort3A_254, %masked_sort3A_255 = tpu.sort %select_n3A_250, %select_n3A_251 masked %masked_sort3A_252 {descending = true} : (vector<16xf32>, vector<16xi32>, vector<16xi1>) -> (vector<16xi1>, vector<16xf32>, vector<16xi32>)
        %add3A_256 = arith.constant 3904 : i32
        %add3A_257 = arith.addi %add3A_256, %mul3A_181 : i32
        %get3A_258 = arith.index_cast %add3A_257 : i32 to index
        %get3A_259 = tpu.vector_load %arg4[%get3A_258] {strides = array<i32>} : memref<9760xf32, #tpu.memory_space<vmem>>, vector<16xf32>,
        %masked_sort3A_260 = arith.constant dense<true> : vector<16xi1>
        %masked_sort3A_261, %masked_sort3A_262, %masked_sort3A_263 = tpu.sort %get3A_259, %add3A_183 masked %masked_sort3A_260 : (vector<16xf32>, vector<16xi32>, vector<16xi1>) -> (vector<16xi1>, vector<16xf32>, vector<16xi32>)
        %gt3A_264 = arith.cmpf ogt, %scan3A_168, %masked_sort3A_262 : vector<16xf32>
        %eq3A_265 = arith.cmpf oeq, %scan3A_168, %masked_sort3A_262 : vector<16xf32>
        %lt3A_266 = arith.cmpi slt, %scan3A_169, %masked_sort3A_263 : vector<16xi32>
        %and3A_267 = arith.andi %eq3A_265, %lt3A_266 : vector<16xi1>
        %or3A_268 = arith.ori %gt3A_264, %and3A_267 : vector<16xi1>
        %select_n3A_269 = arith.select %or3A_268, %scan3A_168, %masked_sort3A_262 : vector<16xi1>, vector<16xf32>
        %select_n3A_270 = arith.select %or3A_268, %scan3A_169, %masked_sort3A_263 : vector<16xi1>, vector<16xi32>
        %masked_sort3A_271 = arith.constant dense<true> : vector<16xi1>
        %masked_sort3A_272, %masked_sort3A_273, %masked_sort3A_274 = tpu.sort %select_n3A_269, %select_n3A_270 masked %masked_sort3A_271 {descending = true} : (vector<16xf32>, vector<16xi32>, vector<16xi1>) -> (vector<16xi1>, vector<16xf32>, vector<16xi32>)
        %add3A_275 = arith.constant 4880 : i32
        %add3A_276 = arith.addi %add3A_275, %mul3A_181 : i32
        %get3A_277 = arith.index_cast %add3A_276 : i32 to index
        %get3A_278 = tpu.vector_load %arg4[%get3A_277] {strides = array<i32>} : memref<9760xf32, #tpu.memory_space<vmem>>, vector<16xf32>,
        %masked_sort3A_279 = arith.constant dense<true> : vector<16xi1>
        %masked_sort3A_280, %masked_sort3A_281, %masked_sort3A_282 = tpu.sort %get3A_278, %add3A_183 masked %masked_sort3A_279 : (vector<16xf32>, vector<16xi32>, vector<16xi1>) -> (vector<16xi1>, vector<16xf32>, vector<16xi32>)
        %gt3A_283 = arith.cmpf ogt, %scan3A_170, %masked_sort3A_281 : vector<16xf32>
        %eq3A_284 = arith.cmpf oeq, %scan3A_170, %masked_sort3A_281 : vector<16xf32>
        %lt3A_285 = arith.cmpi slt, %scan3A_171, %masked_sort3A_282 : vector<16xi32>
        %and3A_286 = arith.andi %eq3A_284, %lt3A_285 : vector<16xi1>
        %or3A_287 = arith.ori %gt3A_283, %and3A_286 : vector<16xi1>
        %select_n3A_288 = arith.select %or3A_287, %scan3A_170, %masked_sort3A_281 : vector<16xi1>, vector<16xf32>
        %select_n3A_289 = arith.select %or3A_287, %scan3A_171, %masked_sort3A_282 : vector<16xi1>, vector<16xi32>
        %masked_sort3A_290 = arith.constant dense<true> : vector<16xi1>
        %masked_sort3A_291, %masked_sort3A_292, %masked_sort3A_293 = tpu.sort %select_n3A_288, %select_n3A_289 masked %masked_sort3A_290 {descending = true} : (vector<16xf32>, vector<16xi32>, vector<16xi1>) -> (vector<16xi1>, vector<16xf32>, vector<16xi32>)
        %add3A_294 = arith.constant 5856 : i32
        %add3A_295 = arith.addi %add3A_294, %mul3A_181 : i32
        %get3A_296 = arith.index_cast %add3A_295 : i32 to index
        %get3A_297 = tpu.vector_load %arg4[%get3A_296] {strides = array<i32>} : memref<9760xf32, #tpu.memory_space<vmem>>, vector<16xf32>,
        %masked_sort3A_298 = arith.constant dense<true> : vector<16xi1>
        %masked_sort3A_299, %masked_sort3A_300, %masked_sort3A_301 = tpu.sort %get3A_297, %add3A_183 masked %masked_sort3A_298 : (vector<16xf32>, vector<16xi32>, vector<16xi1>) -> (vector<16xi1>, vector<16xf32>, vector<16xi32>)
        %gt3A_302 = arith.cmpf ogt, %scan3A_172, %masked_sort3A_300 : vector<16xf32>
        %eq3A_303 = arith.cmpf oeq, %scan3A_172, %masked_sort3A_300 : vector<16xf32>
        %lt3A_304 = arith.cmpi slt, %scan3A_173, %masked_sort3A_301 : vector<16xi32>
        %and3A_305 = arith.andi %eq3A_303, %lt3A_304 : vector<16xi1>
        %or3A_306 = arith.ori %gt3A_302, %and3A_305 : vector<16xi1>
        %select_n3A_307 = arith.select %or3A_306, %scan3A_172, %masked_sort3A_300 : vector<16xi1>, vector<16xf32>
        %select_n3A_308 = arith.select %or3A_306, %scan3A_173, %masked_sort3A_301 : vector<16xi1>, vector<16xi32>
        %masked_sort3A_309 = arith.constant dense<true> : vector<16xi1>
        %masked_sort3A_310, %masked_sort3A_311, %masked_sort3A_312 = tpu.sort %select_n3A_307, %select_n3A_308 masked %masked_sort3A_309 {descending = true} : (vector<16xf32>, vector<16xi32>, vector<16xi1>) -> (vector<16xi1>, vector<16xf32>, vector<16xi32>)
        %add3A_313 = arith.constant 6832 : i32
        %add3A_314 = arith.addi %add3A_313, %mul3A_181 : i32
        %get3A_315 = arith.index_cast %add3A_314 : i32 to index
        %get3A_316 = tpu.vector_load %arg4[%get3A_315] {strides = array<i32>} : memref<9760xf32, #tpu.memory_space<vmem>>, vector<16xf32>,
        %masked_sort3A_317 = arith.constant dense<true> : vector<16xi1>
        %masked_sort3A_318, %masked_sort3A_319, %masked_sort3A_320 = tpu.sort %get3A_316, %add3A_183 masked %masked_sort3A_317 : (vector<16xf32>, vector<16xi32>, vector<16xi1>) -> (vector<16xi1>, vector<16xf32>, vector<16xi32>)
        %gt3A_321 = arith.cmpf ogt, %scan3A_174, %masked_sort3A_319 : vector<16xf32>
        %eq3A_322 = arith.cmpf oeq, %scan3A_174, %masked_sort3A_319 : vector<16xf32>
        %lt3A_323 = arith.cmpi slt, %scan3A_175, %masked_sort3A_320 : vector<16xi32>
        %and3A_324 = arith.andi %eq3A_322, %lt3A_323 : vector<16xi1>
        %or3A_325 = arith.ori %gt3A_321, %and3A_324 : vector<16xi1>
        %select_n3A_326 = arith.select %or3A_325, %scan3A_174, %masked_sort3A_319 : vector<16xi1>, vector<16xf32>
        %select_n3A_327 = arith.select %or3A_325, %scan3A_175, %masked_sort3A_320 : vector<16xi1>, vector<16xi32>
        %masked_sort3A_328 = arith.constant dense<true> : vector<16xi1>
        %masked_sort3A_329, %masked_sort3A_330, %masked_sort3A_331 = tpu.sort %select_n3A_326, %select_n3A_327 masked %masked_sort3A_328 {descending = true} : (vector<16xf32>, vector<16xi32>, vector<16xi1>) -> (vector<16xi1>, vector<16xf32>, vector<16xi32>)
        %add3A_332 = arith.constant 7808 : i32
        %add3A_333 = arith.addi %add3A_332, %mul3A_181 : i32
        %get3A_334 = arith.index_cast %add3A_333 : i32 to index
        %get3A_335 = tpu.vector_load %arg4[%get3A_334] {strides = array<i32>} : memref<9760xf32, #tpu.memory_space<vmem>>, vector<16xf32>,
        %masked_sort3A_336 = arith.constant dense<true> : vector<16xi1>
        %masked_sort3A_337, %masked_sort3A_338, %masked_sort3A_339 = tpu.sort %get3A_335, %add3A_183 masked %masked_sort3A_336 : (vector<16xf32>, vector<16xi32>, vector<16xi1>) -> (vector<16xi1>, vector<16xf32>, vector<16xi32>)
        %gt3A_340 = arith.cmpf ogt, %scan3A_176, %masked_sort3A_338 : vector<16xf32>
        %eq3A_341 = arith.cmpf oeq, %scan3A_176, %masked_sort3A_338 : vector<16xf32>
        %lt3A_342 = arith.cmpi slt, %scan3A_177, %masked_sort3A_339 : vector<16xi32>
        %and3A_343 = arith.andi %eq3A_341, %lt3A_342 : vector<16xi1>
        %or3A_344 = arith.ori %gt3A_340, %and3A_343 : vector<16xi1>
        %select_n3A_345 = arith.select %or3A_344, %scan3A_176, %masked_sort3A_338 : vector<16xi1>, vector<16xf32>
        %select_n3A_346 = arith.select %or3A_344, %scan3A_177, %masked_sort3A_339 : vector<16xi1>, vector<16xi32>
        %masked_sort3A_347 = arith.constant dense<true> : vector<16xi1>
        %masked_sort3A_348, %masked_sort3A_349, %masked_sort3A_350 = tpu.sort %select_n3A_345, %select_n3A_346 masked %masked_sort3A_347 {descending = true} : (vector<16xf32>, vector<16xi32>, vector<16xi1>) -> (vector<16xi1>, vector<16xf32>, vector<16xi32>)
        %add3A_351 = arith.constant 8784 : i32
        %add3A_352 = arith.addi %add3A_351, %mul3A_181 : i32
        %get3A_353 = arith.index_cast %add3A_352 : i32 to index
        %get3A_354 = tpu.vector_load %arg4[%get3A_353] {strides = array<i32>} : memref<9760xf32, #tpu.memory_space<vmem>>, vector<16xf32>,
        %masked_sort3A_355 = arith.constant dense<true> : vector<16xi1>
        %masked_sort3A_356, %masked_sort3A_357, %masked_sort3A_358 = tpu.sort %get3A_354, %add3A_183 masked %masked_sort3A_355 : (vector<16xf32>, vector<16xi32>, vector<16xi1>) -> (vector<16xi1>, vector<16xf32>, vector<16xi32>)
        %gt3A_359 = arith.cmpf ogt, %scan3A_178, %masked_sort3A_357 : vector<16xf32>
        %eq3A_360 = arith.cmpf oeq, %scan3A_178, %masked_sort3A_357 : vector<16xf32>
        %lt3A_361 = arith.cmpi slt, %scan3A_179, %masked_sort3A_358 : vector<16xi32>
        %and3A_362 = arith.andi %eq3A_360, %lt3A_361 : vector<16xi1>
        %or3A_363 = arith.ori %gt3A_359, %and3A_362 : vector<16xi1>
        %select_n3A_364 = arith.select %or3A_363, %scan3A_178, %masked_sort3A_357 : vector<16xi1>, vector<16xf32>
        %select_n3A_365 = arith.select %or3A_363, %scan3A_179, %masked_sort3A_358 : vector<16xi1>, vector<16xi32>
        %masked_sort3A_366 = arith.constant dense<true> : vector<16xi1>
        %masked_sort3A_367, %masked_sort3A_368, %masked_sort3A_369 = tpu.sort %select_n3A_364, %select_n3A_365 masked %masked_sort3A_366 {descending = true} : (vector<16xf32>, vector<16xi32>, vector<16xi1>) -> (vector<16xi1>, vector<16xf32>, vector<16xi32>)
        scf.yield %masked_sort3A_197, %masked_sort3A_198, %masked_sort3A_216, %masked_sort3A_217, %masked_sort3A_235, %masked_sort3A_236, %masked_sort3A_254, %masked_sort3A_255, %masked_sort3A_273, %masked_sort3A_274, %masked_sort3A_292, %masked_sort3A_293, %masked_sort3A_311, %masked_sort3A_312, %masked_sort3A_330, %masked_sort3A_331, %masked_sort3A_349, %masked_sort3A_350, %masked_sort3A_368, %masked_sort3A_369 : vector<16xf32>, vector<16xi32>, vector<16xf32>, vector<16xi32>, vector<16xf32>, vector<16xi32>, vector<16xf32>, vector<16xi32>, vector<16xf32>, vector<16xi32>, vector<16xf32>, vector<16xi32>, vector<16xf32>, vector<16xi32>, vector<16xf32>, vector<16xi32>, vector<16xf32>, vector<16xi32>, vector<16xf32>, vector<16xi32>
      }
      %scan3A_118 = arith.constant 61 : i32
      %swap3A = arith.constant 0 : index
      %swap3A_119 = tpu.vector_load %arg5[%swap3A] {strides = array<i32>} : memref<16xi32, #tpu.memory_space<vmem>>, vector<16xi32>,
      tpu.vector_store %arg5[%swap3A], %scan3A_117#1 {strides = array<i32>} : memref<16xi32, #tpu.memory_space<vmem>>, vector<16xi32>,
      %mul3A_120 = arith.constant 16 : i32
      %mul3A_121 = arith.muli %add3A_48, %mul3A_120 : i32
      "tpu.region"() ({
        %run_scoped3A = tpu.sem_alloc : memref<!tpu.dma_semaphore, #tpu.memory_space<semaphore_mem>>
        %dma_start3A = tpu.memref_slice %arg3[%mul3A_121] : memref<15520xi32, #tpu.memory_space<hbm>> -> memref<16xi32, #tpu.memory_space<hbm>>
        %dma_start3A_159 = tpu.memref_slice %arg3[%mul3A_121] : memref<15520xi32, #tpu.memory_space<hbm>> -> memref<16xi32, #tpu.memory_space<hbm>>
        tpu.enqueue_dma source(%arg5 : memref<16xi32, #tpu.memory_space<vmem>>) target(%dma_start3A_159 : memref<16xi32, #tpu.memory_space<hbm>>) target_semaphore(%run_scoped3A : memref<!tpu.dma_semaphore, #tpu.memory_space<semaphore_mem>>)
        %dma_wait3A = tpu.memref_slice %arg3[%mul3A_121] : memref<15520xi32, #tpu.memory_space<hbm>> -> memref<16xi32, #tpu.memory_space<hbm>>
        %dma_wait3A_160 = tpu.memref_slice %arg3[%mul3A_121] : memref<15520xi32, #tpu.memory_space<hbm>> -> memref<16xi32, #tpu.memory_space<hbm>>
        tpu.wait_dma2 semaphore(%run_scoped3A : memref<!tpu.dma_semaphore, #tpu.memory_space<semaphore_mem>>) src(%arg5 : memref<16xi32, #tpu.memory_space<vmem>>) dst(%dma_wait3A_160 : memref<16xi32, #tpu.memory_space<hbm>>)
        tpu.yield
      }) : () -> ()
      %swap3A_122 = arith.constant 0 : index
      %swap3A_123 = tpu.vector_load %arg5[%swap3A_122] {strides = array<i32>} : memref<16xi32, #tpu.memory_space<vmem>>, vector<16xi32>,
      tpu.vector_store %arg5[%swap3A_122], %scan3A_117#3 {strides = array<i32>} : memref<16xi32, #tpu.memory_space<vmem>>, vector<16xi32>,
      %mul3A_124 = arith.constant 16 : i32
      %mul3A_125 = arith.muli %add3A_53, %mul3A_124 : i32
      "tpu.region"() ({
        %run_scoped3A = tpu.sem_alloc : memref<!tpu.dma_semaphore, #tpu.memory_space<semaphore_mem>>
        %dma_start3A = tpu.memref_slice %arg3[%mul3A_125] : memref<15520xi32, #tpu.memory_space<hbm>> -> memref<16xi32, #tpu.memory_space<hbm>>
        %dma_start3A_159 = tpu.memref_slice %arg3[%mul3A_125] : memref<15520xi32, #tpu.memory_space<hbm>> -> memref<16xi32, #tpu.memory_space<hbm>>
        tpu.enqueue_dma source(%arg5 : memref<16xi32, #tpu.memory_space<vmem>>) target(%dma_start3A_159 : memref<16xi32, #tpu.memory_space<hbm>>) target_semaphore(%run_scoped3A : memref<!tpu.dma_semaphore, #tpu.memory_space<semaphore_mem>>)
        %dma_wait3A = tpu.memref_slice %arg3[%mul3A_125] : memref<15520xi32, #tpu.memory_space<hbm>> -> memref<16xi32, #tpu.memory_space<hbm>>
        %dma_wait3A_160 = tpu.memref_slice %arg3[%mul3A_125] : memref<15520xi32, #tpu.memory_space<hbm>> -> memref<16xi32, #tpu.memory_space<hbm>>
        tpu.wait_dma2 semaphore(%run_scoped3A : memref<!tpu.dma_semaphore, #tpu.memory_space<semaphore_mem>>) src(%arg5 : memref<16xi32, #tpu.memory_space<vmem>>) dst(%dma_wait3A_160 : memref<16xi32, #tpu.memory_space<hbm>>)
        tpu.yield
      }) : () -> ()
      %swap3A_126 = arith.constant 0 : index
      %swap3A_127 = tpu.vector_load %arg5[%swap3A_126] {strides = array<i32>} : memref<16xi32, #tpu.memory_space<vmem>>, vector<16xi32>,
      tpu.vector_store %arg5[%swap3A_126], %scan3A_117#5 {strides = array<i32>} : memref<16xi32, #tpu.memory_space<vmem>>, vector<16xi32>,
      %mul3A_128 = arith.constant 16 : i32
      %mul3A_129 = arith.muli %add3A_58, %mul3A_128 : i32
      "tpu.region"() ({
        %run_scoped3A = tpu.sem_alloc : memref<!tpu.dma_semaphore, #tpu.memory_space<semaphore_mem>>
        %dma_start3A = tpu.memref_slice %arg3[%mul3A_129] : memref<15520xi32, #tpu.memory_space<hbm>> -> memref<16xi32, #tpu.memory_space<hbm>>
        %dma_start3A_159 = tpu.memref_slice %arg3[%mul3A_129] : memref<15520xi32, #tpu.memory_space<hbm>> -> memref<16xi32, #tpu.memory_space<hbm>>
        tpu.enqueue_dma source(%arg5 : memref<16xi32, #tpu.memory_space<vmem>>) target(%dma_start3A_159 : memref<16xi32, #tpu.memory_space<hbm>>) target_semaphore(%run_scoped3A : memref<!tpu.dma_semaphore, #tpu.memory_space<semaphore_mem>>)
        %dma_wait3A = tpu.memref_slice %arg3[%mul3A_129] : memref<15520xi32, #tpu.memory_space<hbm>> -> memref<16xi32, #tpu.memory_space<hbm>>
        %dma_wait3A_160 = tpu.memref_slice %arg3[%mul3A_129] : memref<15520xi32, #tpu.memory_space<hbm>> -> memref<16xi32, #tpu.memory_space<hbm>>
        tpu.wait_dma2 semaphore(%run_scoped3A : memref<!tpu.dma_semaphore, #tpu.memory_space<semaphore_mem>>) src(%arg5 : memref<16xi32, #tpu.memory_space<vmem>>) dst(%dma_wait3A_160 : memref<16xi32, #tpu.memory_space<hbm>>)
        tpu.yield
      }) : () -> ()
      %swap3A_130 = arith.constant 0 : index
      %swap3A_131 = tpu.vector_load %arg5[%swap3A_130] {strides = array<i32>} : memref<16xi32, #tpu.memory_space<vmem>>, vector<16xi32>,
      tpu.vector_store %arg5[%swap3A_130], %scan3A_117#7 {strides = array<i32>} : memref<16xi32, #tpu.memory_space<vmem>>, vector<16xi32>,
      %mul3A_132 = arith.constant 16 : i32
      %mul3A_133 = arith.muli %add3A_63, %mul3A_132 : i32
      "tpu.region"() ({
        %run_scoped3A = tpu.sem_alloc : memref<!tpu.dma_semaphore, #tpu.memory_space<semaphore_mem>>
        %dma_start3A = tpu.memref_slice %arg3[%mul3A_133] : memref<15520xi32, #tpu.memory_space<hbm>> -> memref<16xi32, #tpu.memory_space<hbm>>
        %dma_start3A_159 = tpu.memref_slice %arg3[%mul3A_133] : memref<15520xi32, #tpu.memory_space<hbm>> -> memref<16xi32, #tpu.memory_space<hbm>>
        tpu.enqueue_dma source(%arg5 : memref<16xi32, #tpu.memory_space<vmem>>) target(%dma_start3A_159 : memref<16xi32, #tpu.memory_space<hbm>>) target_semaphore(%run_scoped3A : memref<!tpu.dma_semaphore, #tpu.memory_space<semaphore_mem>>)
        %dma_wait3A = tpu.memref_slice %arg3[%mul3A_133] : memref<15520xi32, #tpu.memory_space<hbm>> -> memref<16xi32, #tpu.memory_space<hbm>>
        %dma_wait3A_160 = tpu.memref_slice %arg3[%mul3A_133] : memref<15520xi32, #tpu.memory_space<hbm>> -> memref<16xi32, #tpu.memory_space<hbm>>
        tpu.wait_dma2 semaphore(%run_scoped3A : memref<!tpu.dma_semaphore, #tpu.memory_space<semaphore_mem>>) src(%arg5 : memref<16xi32, #tpu.memory_space<vmem>>) dst(%dma_wait3A_160 : memref<16xi32, #tpu.memory_space<hbm>>)
        tpu.yield
      }) : () -> ()
      %swap3A_134 = arith.constant 0 : index
      %swap3A_135 = tpu.vector_load %arg5[%swap3A_134] {strides = array<i32>} : memref<16xi32, #tpu.memory_space<vmem>>, vector<16xi32>,
      tpu.vector_store %arg5[%swap3A_134], %scan3A_117#9 {strides = array<i32>} : memref<16xi32, #tpu.memory_space<vmem>>, vector<16xi32>,
      %mul3A_136 = arith.constant 16 : i32
      %mul3A_137 = arith.muli %add3A_68, %mul3A_136 : i32
      "tpu.region"() ({
        %run_scoped3A = tpu.sem_alloc : memref<!tpu.dma_semaphore, #tpu.memory_space<semaphore_mem>>
        %dma_start3A = tpu.memref_slice %arg3[%mul3A_137] : memref<15520xi32, #tpu.memory_space<hbm>> -> memref<16xi32, #tpu.memory_space<hbm>>
        %dma_start3A_159 = tpu.memref_slice %arg3[%mul3A_137] : memref<15520xi32, #tpu.memory_space<hbm>> -> memref<16xi32, #tpu.memory_space<hbm>>
        tpu.enqueue_dma source(%arg5 : memref<16xi32, #tpu.memory_space<vmem>>) target(%dma_start3A_159 : memref<16xi32, #tpu.memory_space<hbm>>) target_semaphore(%run_scoped3A : memref<!tpu.dma_semaphore, #tpu.memory_space<semaphore_mem>>)
        %dma_wait3A = tpu.memref_slice %arg3[%mul3A_137] : memref<15520xi32, #tpu.memory_space<hbm>> -> memref<16xi32, #tpu.memory_space<hbm>>
        %dma_wait3A_160 = tpu.memref_slice %arg3[%mul3A_137] : memref<15520xi32, #tpu.memory_space<hbm>> -> memref<16xi32, #tpu.memory_space<hbm>>
        tpu.wait_dma2 semaphore(%run_scoped3A : memref<!tpu.dma_semaphore, #tpu.memory_space<semaphore_mem>>) src(%arg5 : memref<16xi32, #tpu.memory_space<vmem>>) dst(%dma_wait3A_160 : memref<16xi32, #tpu.memory_space<hbm>>)
        tpu.yield
      }) : () -> ()
      %swap3A_138 = arith.constant 0 : index
      %swap3A_139 = tpu.vector_load %arg5[%swap3A_138] {strides = array<i32>} : memref<16xi32, #tpu.memory_space<vmem>>, vector<16xi32>,
      tpu.vector_store %arg5[%swap3A_138], %scan3A_117#11 {strides = array<i32>} : memref<16xi32, #tpu.memory_space<vmem>>, vector<16xi32>,
      %mul3A_140 = arith.constant 16 : i32
      %mul3A_141 = arith.muli %add3A_73, %mul3A_140 : i32
      "tpu.region"() ({
        %run_scoped3A = tpu.sem_alloc : memref<!tpu.dma_semaphore, #tpu.memory_space<semaphore_mem>>
        %dma_start3A = tpu.memref_slice %arg3[%mul3A_141] : memref<15520xi32, #tpu.memory_space<hbm>> -> memref<16xi32, #tpu.memory_space<hbm>>
        %dma_start3A_159 = tpu.memref_slice %arg3[%mul3A_141] : memref<15520xi32, #tpu.memory_space<hbm>> -> memref<16xi32, #tpu.memory_space<hbm>>
        tpu.enqueue_dma source(%arg5 : memref<16xi32, #tpu.memory_space<vmem>>) target(%dma_start3A_159 : memref<16xi32, #tpu.memory_space<hbm>>) target_semaphore(%run_scoped3A : memref<!tpu.dma_semaphore, #tpu.memory_space<semaphore_mem>>)
        %dma_wait3A = tpu.memref_slice %arg3[%mul3A_141] : memref<15520xi32, #tpu.memory_space<hbm>> -> memref<16xi32, #tpu.memory_space<hbm>>
        %dma_wait3A_160 = tpu.memref_slice %arg3[%mul3A_141] : memref<15520xi32, #tpu.memory_space<hbm>> -> memref<16xi32, #tpu.memory_space<hbm>>
        tpu.wait_dma2 semaphore(%run_scoped3A : memref<!tpu.dma_semaphore, #tpu.memory_space<semaphore_mem>>) src(%arg5 : memref<16xi32, #tpu.memory_space<vmem>>) dst(%dma_wait3A_160 : memref<16xi32, #tpu.memory_space<hbm>>)
        tpu.yield
      }) : () -> ()
      %swap3A_142 = arith.constant 0 : index
      %swap3A_143 = tpu.vector_load %arg5[%swap3A_142] {strides = array<i32>} : memref<16xi32, #tpu.memory_space<vmem>>, vector<16xi32>,
      tpu.vector_store %arg5[%swap3A_142], %scan3A_117#13 {strides = array<i32>} : memref<16xi32, #tpu.memory_space<vmem>>, vector<16xi32>,
      %mul3A_144 = arith.constant 16 : i32
      %mul3A_145 = arith.muli %add3A_78, %mul3A_144 : i32
      "tpu.region"() ({
        %run_scoped3A = tpu.sem_alloc : memref<!tpu.dma_semaphore, #tpu.memory_space<semaphore_mem>>
        %dma_start3A = tpu.memref_slice %arg3[%mul3A_145] : memref<15520xi32, #tpu.memory_space<hbm>> -> memref<16xi32, #tpu.memory_space<hbm>>
        %dma_start3A_159 = tpu.memref_slice %arg3[%mul3A_145] : memref<15520xi32, #tpu.memory_space<hbm>> -> memref<16xi32, #tpu.memory_space<hbm>>
        tpu.enqueue_dma source(%arg5 : memref<16xi32, #tpu.memory_space<vmem>>) target(%dma_start3A_159 : memref<16xi32, #tpu.memory_space<hbm>>) target_semaphore(%run_scoped3A : memref<!tpu.dma_semaphore, #tpu.memory_space<semaphore_mem>>)
        %dma_wait3A = tpu.memref_slice %arg3[%mul3A_145] : memref<15520xi32, #tpu.memory_space<hbm>> -> memref<16xi32, #tpu.memory_space<hbm>>
        %dma_wait3A_160 = tpu.memref_slice %arg3[%mul3A_145] : memref<15520xi32, #tpu.memory_space<hbm>> -> memref<16xi32, #tpu.memory_space<hbm>>
        tpu.wait_dma2 semaphore(%run_scoped3A : memref<!tpu.dma_semaphore, #tpu.memory_space<semaphore_mem>>) src(%arg5 : memref<16xi32, #tpu.memory_space<vmem>>) dst(%dma_wait3A_160 : memref<16xi32, #tpu.memory_space<hbm>>)
        tpu.yield
      }) : () -> ()
      %swap3A_146 = arith.constant 0 : index
      %swap3A_147 = tpu.vector_load %arg5[%swap3A_146] {strides = array<i32>} : memref<16xi32, #tpu.memory_space<vmem>>, vector<16xi32>,
      tpu.vector_store %arg5[%swap3A_146], %scan3A_117#15 {strides = array<i32>} : memref<16xi32, #tpu.memory_space<vmem>>, vector<16xi32>,
      %mul3A_148 = arith.constant 16 : i32
      %mul3A_149 = arith.muli %add3A_83, %mul3A_148 : i32
      "tpu.region"() ({
        %run_scoped3A = tpu.sem_alloc : memref<!tpu.dma_semaphore, #tpu.memory_space<semaphore_mem>>
        %dma_start3A = tpu.memref_slice %arg3[%mul3A_149] : memref<15520xi32, #tpu.memory_space<hbm>> -> memref<16xi32, #tpu.memory_space<hbm>>
        %dma_start3A_159 = tpu.memref_slice %arg3[%mul3A_149] : memref<15520xi32, #tpu.memory_space<hbm>> -> memref<16xi32, #tpu.memory_space<hbm>>
        tpu.enqueue_dma source(%arg5 : memref<16xi32, #tpu.memory_space<vmem>>) target(%dma_start3A_159 : memref<16xi32, #tpu.memory_space<hbm>>) target_semaphore(%run_scoped3A : memref<!tpu.dma_semaphore, #tpu.memory_space<semaphore_mem>>)
        %dma_wait3A = tpu.memref_slice %arg3[%mul3A_149] : memref<15520xi32, #tpu.memory_space<hbm>> -> memref<16xi32, #tpu.memory_space<hbm>>
        %dma_wait3A_160 = tpu.memref_slice %arg3[%mul3A_149] : memref<15520xi32, #tpu.memory_space<hbm>> -> memref<16xi32, #tpu.memory_space<hbm>>
        tpu.wait_dma2 semaphore(%run_scoped3A : memref<!tpu.dma_semaphore, #tpu.memory_space<semaphore_mem>>) src(%arg5 : memref<16xi32, #tpu.memory_space<vmem>>) dst(%dma_wait3A_160 : memref<16xi32, #tpu.memory_space<hbm>>)
        tpu.yield
      }) : () -> ()
      %swap3A_150 = arith.constant 0 : index
      %swap3A_151 = tpu.vector_load %arg5[%swap3A_150] {strides = array<i32>} : memref<16xi32, #tpu.memory_space<vmem>>, vector<16xi32>,
      tpu.vector_store %arg5[%swap3A_150], %scan3A_117#17 {strides = array<i32>} : memref<16xi32, #tpu.memory_space<vmem>>, vector<16xi32>,
      %mul3A_152 = arith.constant 16 : i32
      %mul3A_153 = arith.muli %add3A_88, %mul3A_152 : i32
      "tpu.region"() ({
        %run_scoped3A = tpu.sem_alloc : memref<!tpu.dma_semaphore, #tpu.memory_space<semaphore_mem>>
        %dma_start3A = tpu.memref_slice %arg3[%mul3A_153] : memref<15520xi32, #tpu.memory_space<hbm>> -> memref<16xi32, #tpu.memory_space<hbm>>
        %dma_start3A_159 = tpu.memref_slice %arg3[%mul3A_153] : memref<15520xi32, #tpu.memory_space<hbm>> -> memref<16xi32, #tpu.memory_space<hbm>>
        tpu.enqueue_dma source(%arg5 : memref<16xi32, #tpu.memory_space<vmem>>) target(%dma_start3A_159 : memref<16xi32, #tpu.memory_space<hbm>>) target_semaphore(%run_scoped3A : memref<!tpu.dma_semaphore, #tpu.memory_space<semaphore_mem>>)
        %dma_wait3A = tpu.memref_slice %arg3[%mul3A_153] : memref<15520xi32, #tpu.memory_space<hbm>> -> memref<16xi32, #tpu.memory_space<hbm>>
        %dma_wait3A_160 = tpu.memref_slice %arg3[%mul3A_153] : memref<15520xi32, #tpu.memory_space<hbm>> -> memref<16xi32, #tpu.memory_space<hbm>>
        tpu.wait_dma2 semaphore(%run_scoped3A : memref<!tpu.dma_semaphore, #tpu.memory_space<semaphore_mem>>) src(%arg5 : memref<16xi32, #tpu.memory_space<vmem>>) dst(%dma_wait3A_160 : memref<16xi32, #tpu.memory_space<hbm>>)
        tpu.yield
      }) : () -> ()
      %swap3A_154 = arith.constant 0 : index
      %swap3A_155 = tpu.vector_load %arg5[%swap3A_154] {strides = array<i32>} : memref<16xi32, #tpu.memory_space<vmem>>, vector<16xi32>,
      tpu.vector_store %arg5[%swap3A_154], %scan3A_117#19 {strides = array<i32>} : memref<16xi32, #tpu.memory_space<vmem>>, vector<16xi32>,
      %mul3A_156 = arith.constant 16 : i32
      %mul3A_157 = arith.muli %add3A_93, %mul3A_156 : i32
      "tpu.region"() ({
        %run_scoped3A = tpu.sem_alloc : memref<!tpu.dma_semaphore, #tpu.memory_space<semaphore_mem>>
        %dma_start3A = tpu.memref_slice %arg3[%mul3A_157] : memref<15520xi32, #tpu.memory_space<hbm>> -> memref<16xi32, #tpu.memory_space<hbm>>
        %dma_start3A_159 = tpu.memref_slice %arg3[%mul3A_157] : memref<15520xi32, #tpu.memory_space<hbm>> -> memref<16xi32, #tpu.memory_space<hbm>>
        tpu.enqueue_dma source(%arg5 : memref<16xi32, #tpu.memory_space<vmem>>) target(%dma_start3A_159 : memref<16xi32, #tpu.memory_space<hbm>>) target_semaphore(%run_scoped3A : memref<!tpu.dma_semaphore, #tpu.memory_space<semaphore_mem>>)
        %dma_wait3A = tpu.memref_slice %arg3[%mul3A_157] : memref<15520xi32, #tpu.memory_space<hbm>> -> memref<16xi32, #tpu.memory_space<hbm>>
        %dma_wait3A_160 = tpu.memref_slice %arg3[%mul3A_157] : memref<15520xi32, #tpu.memory_space<hbm>> -> memref<16xi32, #tpu.memory_space<hbm>>
        tpu.wait_dma2 semaphore(%run_scoped3A : memref<!tpu.dma_semaphore, #tpu.memory_space<semaphore_mem>>) src(%arg5 : memref<16xi32, #tpu.memory_space<vmem>>) dst(%dma_wait3A_160 : memref<16xi32, #tpu.memory_space<hbm>>)
        tpu.yield
      }) : () -> ()
      %while3A_158 = arith.constant 0 : i32
      scf.yield %while3A_158 : i32
    }
    %eq3A = arith.constant 1 : i32
    %eq3A_38 = arith.cmpi eq, %sub3A_26, %eq3A : i32
    %convert_element_type3A = arith.extui %eq3A_38 : i1 to i32
    %cond3A = arith.constant 0 : i32
    %cond3A_39 = arith.cmpi ne, %convert_element_type3A, %cond3A : i32
    scf.if %cond3A_39 {
      %mul3A_40 = arith.constant 10 : i32
      %mul3A_41 = arith.muli %mul3A_40, %select_n3A_23 : i32
      %add3A_42 = arith.constant 0 : i32
      %add3A_43 = arith.addi %mul3A_41, %add3A_42 : i32
      %mul3A_44 = arith.constant 32 : i32
      %mul3A_45 = arith.muli %mul3A_44, %add3A_43 : i32
      %add3A_46 = arith.addi %add3A, %mul3A_45 : i32
      %mul3A_47 = arith.constant 1024 : i32
      %mul3A_48 = arith.muli %add3A_46, %mul3A_47 : i32
      "tpu.region"() ({
        %run_scoped3A = tpu.sem_alloc : memref<!tpu.dma_semaphore, #tpu.memory_space<semaphore_mem>>
        %dma_start3A = arith.constant 0 : i32
        %dma_start3A_57 = tpu.memref_slice %arg4[%dma_start3A] : memref<9760xf32, #tpu.memory_space<vmem>> -> memref<976xf32, #tpu.memory_space<vmem>>
        %dma_start3A_58 = tpu.memref_slice %arg2[%mul3A_48] : memref<999424xf32, #tpu.memory_space<hbm>> -> memref<976xf32, #tpu.memory_space<hbm>>
        %dma_start3A_59 = arith.constant 0 : i32
        %dma_start3A_60 = tpu.memref_slice %arg4[%dma_start3A_59] : memref<9760xf32, #tpu.memory_space<vmem>> -> memref<976xf32, #tpu.memory_space<vmem>>
        %dma_start3A_61 = tpu.memref_slice %arg2[%mul3A_48] : memref<999424xf32, #tpu.memory_space<hbm>> -> memref<976xf32, #tpu.memory_space<hbm>>
        tpu.enqueue_dma source(%dma_start3A_61 : memref<976xf32, #tpu.memory_space<hbm>>) target(%dma_start3A_60 : memref<976xf32, #tpu.memory_space<vmem>>) target_semaphore(%run_scoped3A : memref<!tpu.dma_semaphore, #tpu.memory_space<semaphore_mem>>)
        %dma_wait3A = arith.constant 0 : i32
        %dma_wait3A_62 = tpu.memref_slice %arg4[%dma_wait3A] : memref<9760xf32, #tpu.memory_space<vmem>> -> memref<976xf32, #tpu.memory_space<vmem>>
        %dma_wait3A_63 = tpu.memref_slice %arg2[%mul3A_48] : memref<999424xf32, #tpu.memory_space<hbm>> -> memref<976xf32, #tpu.memory_space<hbm>>
        %dma_wait3A_64 = arith.constant 0 : i32
        %dma_wait3A_65 = tpu.memref_slice %arg4[%dma_wait3A_64] : memref<9760xf32, #tpu.memory_space<vmem>> -> memref<976xf32, #tpu.memory_space<vmem>>
        %dma_wait3A_66 = tpu.memref_slice %arg2[%mul3A_48] : memref<999424xf32, #tpu.memory_space<hbm>> -> memref<976xf32, #tpu.memory_space<hbm>>
        tpu.wait_dma2 semaphore(%run_scoped3A : memref<!tpu.dma_semaphore, #tpu.memory_space<semaphore_mem>>) src(%dma_wait3A_66 : memref<976xf32, #tpu.memory_space<hbm>>) dst(%dma_wait3A_65 : memref<976xf32, #tpu.memory_space<vmem>>)
        tpu.yield
      }) : () -> ()
      %scan3A = arith.constant 0 : i32
      %scan3A_49 = arith.constant 61 : i32
      %scan3A_50 = arith.addi %scan3A, %scan3A_49 : i32
      %scan3A_51 = arith.constant 1 : i32
      %scan3A_52:2 = scf.for %scan3A_57 = %scan3A to %scan3A_50 step %scan3A_51 iter_args(%scan3A_58 = %broadcast_in_dim3A_3, %scan3A_59 = %broadcast_in_dim3A_5) -> (vector<16xf32>, vector<16xi32>)  : i32 {
        %mul3A_60 = arith.constant 16 : i32
        %mul3A_61 = arith.muli %scan3A_57, %mul3A_60 : i32
        %add3A_62 = vector.broadcast %mul3A_61 : i32 to vector<16xi32>
        %add3A_63 = arith.addi %add3A_62, %iota3A : vector<16xi32>
        %add3A_64 = arith.constant 0 : i32
        %add3A_65 = arith.addi %add3A_64, %mul3A_61 : i32
        %get3A = arith.index_cast %add3A_65 : i32 to index
        %get3A_66 = tpu.vector_load %arg4[%get3A] {strides = array<i32>} : memref<9760xf32, #tpu.memory_space<vmem>>, vector<16xf32>,
        %masked_sort3A = arith.constant dense<true> : vector<16xi1>
        %masked_sort3A_67, %masked_sort3A_68, %masked_sort3A_69 = tpu.sort %get3A_66, %add3A_63 masked %masked_sort3A : (vector<16xf32>, vector<16xi32>, vector<16xi1>) -> (vector<16xi1>, vector<16xf32>, vector<16xi32>)
        %gt3A = arith.cmpf ogt, %scan3A_58, %masked_sort3A_68 : vector<16xf32>
        %eq3A_70 = arith.cmpf oeq, %scan3A_58, %masked_sort3A_68 : vector<16xf32>
        %lt3A_71 = arith.cmpi slt, %scan3A_59, %masked_sort3A_69 : vector<16xi32>
        %and3A_72 = arith.andi %eq3A_70, %lt3A_71 : vector<16xi1>
        %or3A = arith.ori %gt3A, %and3A_72 : vector<16xi1>
        %select_n3A_73 = arith.select %or3A, %scan3A_58, %masked_sort3A_68 : vector<16xi1>, vector<16xf32>
        %select_n3A_74 = arith.select %or3A, %scan3A_59, %masked_sort3A_69 : vector<16xi1>, vector<16xi32>
        %masked_sort3A_75 = arith.constant dense<true> : vector<16xi1>
        %masked_sort3A_76, %masked_sort3A_77, %masked_sort3A_78 = tpu.sort %select_n3A_73, %select_n3A_74 masked %masked_sort3A_75 {descending = true} : (vector<16xf32>, vector<16xi32>, vector<16xi1>) -> (vector<16xi1>, vector<16xf32>, vector<16xi32>)
        scf.yield %masked_sort3A_77, %masked_sort3A_78 : vector<16xf32>, vector<16xi32>
      }
      %scan3A_53 = arith.constant 61 : i32
      %swap3A = arith.constant 0 : index
      %swap3A_54 = tpu.vector_load %arg5[%swap3A] {strides = array<i32>} : memref<16xi32, #tpu.memory_space<vmem>>, vector<16xi32>,
      tpu.vector_store %arg5[%swap3A], %scan3A_52#1 {strides = array<i32>} : memref<16xi32, #tpu.memory_space<vmem>>, vector<16xi32>,
      %mul3A_55 = arith.constant 16 : i32
      %mul3A_56 = arith.muli %add3A_46, %mul3A_55 : i32
      "tpu.region"() ({
        %run_scoped3A = tpu.sem_alloc : memref<!tpu.dma_semaphore, #tpu.memory_space<semaphore_mem>>
        %dma_start3A = tpu.memref_slice %arg3[%mul3A_56] : memref<15520xi32, #tpu.memory_space<hbm>> -> memref<16xi32, #tpu.memory_space<hbm>>
        %dma_start3A_57 = tpu.memref_slice %arg3[%mul3A_56] : memref<15520xi32, #tpu.memory_space<hbm>> -> memref<16xi32, #tpu.memory_space<hbm>>
        tpu.enqueue_dma source(%arg5 : memref<16xi32, #tpu.memory_space<vmem>>) target(%dma_start3A_57 : memref<16xi32, #tpu.memory_space<hbm>>) target_semaphore(%run_scoped3A : memref<!tpu.dma_semaphore, #tpu.memory_space<semaphore_mem>>)
        %dma_wait3A = tpu.memref_slice %arg3[%mul3A_56] : memref<15520xi32, #tpu.memory_space<hbm>> -> memref<16xi32, #tpu.memory_space<hbm>>
        %dma_wait3A_58 = tpu.memref_slice %arg3[%mul3A_56] : memref<15520xi32, #tpu.memory_space<hbm>> -> memref<16xi32, #tpu.memory_space<hbm>>
        tpu.wait_dma2 semaphore(%run_scoped3A : memref<!tpu.dma_semaphore, #tpu.memory_space<semaphore_mem>>) src(%arg5 : memref<16xi32, #tpu.memory_space<vmem>>) dst(%dma_wait3A_58 : memref<16xi32, #tpu.memory_space<hbm>>)
        tpu.yield
      }) : () -> ()
    } else {
    }
    return
  }
}

module attributes {stable_mosaic.version = 14 : i64} {
  func.func @_conv_body(%arg0: i32, %arg1: memref<1x1xf32, #tpu.memory_space<vmem>>, %arg2: memref<64x256xf32, #tpu.memory_space<vmem>>, %arg3: memref<64x4x970xf32, #tpu.memory_space<vmem>>, %arg4: memref<64x1024xf32, #tpu.memory_space<vmem>>) attributes {dimension_semantics = [#tpu.dimension_semantics<arbitrary>], iteration_bounds = array<i64: 16>, scalar_prefetch = 0 : i64, scratch_operands = 0 : i64, tpu.core_type = #tpu.core_type<tc>, window_params = [{pipeline_mode = #tpu.pipeline_mode<synchronous>, transform_indices = @transform_0, window_bounds = array<i64: 1, 1>}, {pipeline_mode = #tpu.pipeline_mode<synchronous>, transform_indices = @transform_1, window_bounds = array<i64: 64, 256>}, {transform_indices = @transform_2, window_bounds = array<i64: 64, 4, 970>}, {transform_indices = @transform_3, window_bounds = array<i64: 64, 1024>}]} {
    %get3A = arith.constant 0 : index
    %get3A_0 = arith.constant 0 : index
    %get3A_1 = arith.constant 0 : index
    %get3A_2 = vector.load %arg3[%get3A, %get3A_0, %get3A_1] : memref<64x4x970xf32, #tpu.memory_space<vmem>>, vector<64x4x970xf32>
    %reshape3A = vector.shape_cast %get3A_2 : vector<64x4x970xf32> to vector<256x970xf32>
    %get3A_3 = arith.constant 0 : index
    %get3A_4 = arith.constant 0 : index
    %get3A_5 = vector.load %arg2[%get3A_3, %get3A_4] : memref<64x256xf32, #tpu.memory_space<vmem>>, vector<64x256xf32>
    %dot_general3A = arith.constant dense<0.000000e+00> : vector<64x970xf32>
    %dot_general3A_6 = tpu.matmul %get3A_5, %reshape3A, %dot_general3A {dimension_numbers = #tpu.dot_dimension_numbers<[1], [0], [0], [1], [0, 0, 1, 1], [], []>, transpose_lhs_hint = false} : vector<64x256xf32>, vector<256x970xf32>, vector<64x970xf32> -> vector<64x970xf32>
    %get3A_7 = arith.constant 0 : index
    %get3A_8 = arith.constant 0 : index
    %get3A_9 = vector.load %arg1[%get3A_7, %get3A_8] : memref<1x1xf32, #tpu.memory_space<vmem>>, vector<1x1xf32>
    %get3A_10 = vector.extract %get3A_9[0, 0] : f32 from vector<1x1xf32>
    %add3A = vector.broadcast %get3A_10 : f32 to vector<64x970xf32>
    %add3A_11 = arith.addf %dot_general3A_6, %add3A : vector<64x970xf32>
    %swap3A = arith.constant 0 : index
    %swap3A_12 = arith.constant 0 : index
    %swap3A_13 = vector.load %arg4[%swap3A, %swap3A_12] : memref<64x1024xf32, #tpu.memory_space<vmem>>, vector<64x970xf32>
    tpu.vector_store %arg4[%swap3A, %swap3A_12], %add3A_11 {strides = array<i32>} : memref<64x1024xf32, #tpu.memory_space<vmem>>, vector<64x970xf32>,
    %broadcast_in_dim3A = arith.constant -3.40282347E+38 : f32
    %broadcast_in_dim3A_14 = vector.broadcast %broadcast_in_dim3A : f32 to vector<64x54xf32>
    %swap3A_15 = arith.constant 0 : index
    %swap3A_16 = arith.constant 970 : index
    %swap3A_17 = vector.load %arg4[%swap3A_15, %swap3A_16] : memref<64x1024xf32, #tpu.memory_space<vmem>>, vector<64x54xf32>
    tpu.vector_store %arg4[%swap3A_15, %swap3A_16], %broadcast_in_dim3A_14 {strides = array<i32>} : memref<64x1024xf32, #tpu.memory_space<vmem>>, vector<64x54xf32>,
    return
  }
  func.func @transform_0(%arg0: i32) -> (i32, i32) {
    %c0_i32 = arith.constant 0 : i32
    %c0_i32_0 = arith.constant 0 : i32
    %c0_i32_1 = arith.constant 0 : i32
    return %c0_i32, %c0_i32_0 : i32, i32
  }
  func.func @transform_1(%arg0: i32) -> (i32, i32) {
    %c0_i32 = arith.constant 0 : i32
    %c0_i32_0 = arith.constant 0 : i32
    %c0_i32_1 = arith.constant 0 : i32
    return %c0_i32, %c0_i32_0 : i32, i32
  }
  func.func @transform_2(%arg0: i32) -> (i32, i32, i32) {
    %c0_i32 = arith.constant 0 : i32
    %c0_i32_0 = arith.constant 0 : i32
    %c0_i32_1 = arith.constant 0 : i32
    return %arg0, %c0_i32, %c0_i32_0 : i32, i32, i32
  }
  func.func @transform_3(%arg0: i32) -> (i32, i32) {
    %c0_i32 = arith.constant 0 : i32
    %c0_i32_0 = arith.constant 0 : i32
    return %arg0, %c0_i32 : i32, i32
  }
}

</mosaic_0001>

<sc_bundles>
// kernel: kernel.4.cloned.1.call-start
scs
__scs_entry_jumppad:
0x0: {  	(pc) =	sbr.rel $0x88, $3  }
0x1: {  	(tag) =	ssettag $0x0;
	lr =	simm.s32 $0x1  }
0x2: {  	[smem:$0x3F9E] =	sst lr;
	_ =	strace $0xD0000000  }
0x3: {  	_ = 	snop  }
0x4: {  	_ = 	snop  }
0x5: {  	_ = 	snop  }
0x6: {  	_ = 	snop  }
0x7: {  	_ = 	snop  }
__scs_overlays_trampoline_lowered:
0x8: {  	[smem:$0x3FAD] =	sst s0  }
0x9: {  	[smem:$0x3FAE] =	sst s1  }
0xa: {  	[smem:$0x3FAF] =	sst s2  }
0xb: {  	[smem:$0x3FB0] =	sst s3  }
0xc: {  	[smem:$0x3FB1] =	sst s4  }
0xd: {  	[smem:$0x3FB2] =	sst s5  }
0xe: {  	[smem:$0x3FB3] =	sst s6  }
0xf: {  	[smem:$0x3FB4] =	sst s7  }
0x10: {  	[smem:$0x3FB5] =	sst s8  }
0x11: {  	[smem:$0x3FB6] =	sst s9;
	s0 =	simm.s32 @!p0 $0x0  }
0x12: {  	s1 =	sld [smem:$0x3F9C];
	s0 =	simm.s32 @p0 $0x1  }
0x13: {  	[smem:$0x3FB7] =	sst s0;
	s0 =	simm.s32 @!p1 $0x0  }
0x14: {  	s2 =	sld [smem:$0x3F9B];
	s0 =	simm.s32 @p1 $0x1  }
0x15: {  	[smem:$0x3FB8] =	sst s0;
	s0 =	simm.s32 @!p2 $0x0  }
0x16: {  	s3 =	sld [smem:$0x3FDB];
	s0 =	simm.s32 @p2 $0x1  }
0x17: {  	s4 =	simm.s32 $0x1BF5;
	[smem:$0x3FBA] =	sst s0  }
0x18: {  	s0 =	sld [smem:$0x3F9D];
	_ =	swait.ge [sflag:s4], $0x0  }
0x19: {  	s7 =	sld [smem:$0x3F9E]  }
0x1a: {  	s8 =	sadd.s32 $0xFFFFE003, lr  }
0x1b: {  	s9 =	sadd.s32 $0xFFFFFEF7, lr;
	s5 =	simm.s32 $0xFFFFFFFF;
	p2 =	slt.u32 s8, $0xFFFFF086  }
0x1c: {  	p1 =	slt.u32 s9, $0xF7A;
	s5 =	simm.s32 @!p2 $0x0  }
0x1d: {  	s5 =	simm.s32 @p1 $0x1;
	p0 =	seq.s32 s7, s2  }
0x1e: {  	s7 =	smul.u32 @!p0 $0xF7A, s2;
	p2 =	seq.s32 @!p0 s5, $0x0  }
0x1f: {  	s9 =	smul.u32 $0xF7A, s1;
	s8 =	simm.s32 @!p0 $0x1BF5;
	p2 =	por !p2, p0  }
0x20: {  	[sflag:s8] =	ssyncset.s32 @!p0 $0xFFFFF086;
	s6 =	sadd.s32 @!p0 s3, s7;
	s7 =	simm.s32 @!p0 $0x108  }
0x21: {  	s3 =	sadd.s32 s3, s9;
	s6 =	sadd.s32 @!p0 $0x88, s6;
	s7 =	simm.s32 @p2 $0x1082  }
0x22: {  	[simem:s7], [sflag:s8] =	dma.local @!p0 [hbm:s6], $0xF7A  }
0x23: {  	s9 =	sor.u32 $0xD0000000, s2;
	s6 =	simm.s32 $0x108;
	_ =	swait.ge @!p0 [sflag:s8], $0x0  }
0x24: {  	s3 =	sadd.s32 $0x88, s3;
	s6 =	simm.s32 @!p1 $0x1082;
	[sflag:s4] =	ssyncset.s32 $0xFFFFF086  }
0x25: {  	[simem:s6], [sflag:s4] =	dma.local [hbm:s3], $0xF7A  }
0x26: {  	[smem:$0x3F9E] =	sst s1;
	(tag) =	ssettag s2;
	_ =	strace s9  }
0x27: {  	s1 =	sld [smem:$0x3FAE]  }
0x28: {  	s2 =	sld [smem:$0x3FAF]  }
0x29: {  	s4 =	sld [smem:$0x3FB1]  }
0x2a: {  	p0 =	seq.s32 s5, $0x0;
	s5 =	sld [smem:$0x3FB2]  }
0x2b: {  	s6 =	sld [smem:$0x3FB3]  }
0x2c: {  	s7 =	sld [smem:$0x3FB4]  }
0x2d: {  	s3 =	simm.s32 $0x108;
	s8 =	sld [smem:$0x3FB5]  }
0x2e: {  	s3 =	simm.s32 @!p0 $0x1082;
	s9 =	sld [smem:$0x3FB6]  }
0x2f: {  	lr =	sadd.s32 s0, s3;
	s0 =	sld [smem:$0x3FAD]  }
0x30: {  	s3 =	sld [smem:$0x3FB0]  }
0x31: {  	[smem:$0x3FB9] =	sst s10  }
0x32: {  	s10 =	sld [smem:$0x3FB7];
	_ =	sdelay $0x3  }
0x33: {  	p0 =	seq.s32 s10, $0x1;
	s10 =	sld [smem:$0x3FB9];
	_ =	sdelay $0x3  }
0x34: {  	[smem:$0x3FB9] =	sst s10  }
0x35: {  	s10 =	sld [smem:$0x3FB8];
	_ =	sdelay $0x3  }
0x36: {  	p1 =	seq.s32 s10, $0x1;
	s10 =	sld [smem:$0x3FB9];
	_ =	sdelay $0x3  }
0x37: {  	[smem:$0x3FB9] =	sst s10  }
0x38: {  	s10 =	sld [smem:$0x3FBA]  }
0x39: {  	_ = 	snop;
	(pc) =	sbr.ind lr, $3  }
0x3a: {  	_ = 	snop  }
0x3b: {  	_ = 	snop  }
0x3c: {  	p2 =	seq.s32 s10, $0x1;
	s10 =	sld [smem:$0x3FB9]  }
0x3d: {  	_ =	shalt  }
0x3e: {  	_ =	shalt  }
0x3f: {  	_ =	shalt  }
0x40: {  	_ =	shalt  }
0x41: {  	_ =	shalt  }
0x42: {  	_ =	shalt  }
0x43: {  	_ =	shalt  }
0x44: {  	_ =	shalt  }
0x45: {  	_ =	shalt  }
0x46: {  	_ =	shalt  }
0x47: {  	_ =	shalt  }
0x48: {  	_ =	shalt  }
0x49: {  	_ =	shalt  }
0x4a: {  	_ =	shalt  }
0x4b: {  	_ =	shalt  }
0x4c: {  	_ =	shalt  }
0x4d: {  	_ =	shalt  }
0x4e: {  	_ =	shalt  }
0x4f: {  	_ =	shalt  }
0x50: {  	_ =	shalt  }
0x51: {  	_ =	shalt  }
0x52: {  	_ =	shalt  }
0x53: {  	_ =	shalt  }
0x54: {  	_ =	shalt  }
0x55: {  	_ =	shalt  }
0x56: {  	_ =	shalt  }
0x57: {  	_ =	shalt  }
0x58: {  	_ =	shalt  }
0x59: {  	_ =	shalt  }
0x5a: {  	_ =	shalt  }
0x5b: {  	_ =	shalt  }
0x5c: {  	_ =	shalt  }
0x5d: {  	_ =	shalt  }
0x5e: {  	_ =	shalt  }
0x5f: {  	_ =	shalt  }
0x60: {  	_ =	shalt  }
0x61: {  	_ =	shalt  }
0x62: {  	_ =	shalt  }
0x63: {  	_ =	shalt  }
0x64: {  	_ =	shalt  }
0x65: {  	_ =	shalt  }
0x66: {  	_ =	shalt  }
0x67: {  	_ =	shalt  }
0x68: {  	_ =	shalt  }
0x69: {  	_ =	shalt  }
0x6a: {  	_ =	shalt  }
0x6b: {  	_ =	shalt  }
0x6c: {  	_ =	shalt  }
0x6d: {  	_ =	shalt  }
0x6e: {  	_ =	shalt  }
0x6f: {  	_ =	shalt  }
0x70: {  	_ =	shalt  }
0x71: {  	_ =	shalt  }
0x72: {  	_ =	shalt  }
0x73: {  	_ =	shalt  }
0x74: {  	_ =	shalt  }
0x75: {  	_ =	shalt  }
0x76: {  	_ =	shalt  }
0x77: {  	_ =	shalt  }
0x78: {  	_ =	shalt  }
0x79: {  	_ =	shalt  }
0x7a: {  	_ =	shalt  }
0x7b: {  	_ =	shalt  }
0x7c: {  	_ =	shalt  }
0x7d: {  	_ =	shalt  }
0x7e: {  	_ =	shalt  }
0x7f: {  	_ =	shalt  }
0x80: {  	_ =	shalt  }
0x81: {  	_ =	shalt  }
0x82: {  	_ =	shalt  }
0x83: {  	_ =	shalt  }
0x84: {  	_ =	shalt  }
0x85: {  	_ =	shalt  }
0x86: {  	_ =	shalt  }
0x87: {  	_ =	shalt  }
.Lfunc_end0:
.L_simem_size_0:
called_computation_lowered:
.L_overlay_start_0:
0x88: {  	s2 =	sld [smem:$0x3FD9]  }
0x89: {  	s3 =	sld [smem:$0x3FFE];
	_ =	sdelay $0x1  }
0x8a: {  	s1 =	srdreg.scid  }
0x8b: {  	s0 =	sand.u32 $0x1, s1  }
0x8c: {  	s16 =	sshll.u32 s0, $0xA;
	s2 =	sadd.s32 s3, s2  }
0x8d: {  	s2 =	sadd.s32 s2, s16  }
0x8e: {  	[smem:$0x3FC5] =	sst s2  }
0x8f: {  	_ = 	snop  }
0x90: {  	(tm) =	ssettm $0x1  }
0x91: {  	s17 =	sld [smem:$0x3FFB];
	_ =	sdelay $0x3  }
0x92: {  	_ =	strace s17  }
0x93: {  	s2 =	sld [smem:$0x3FFC];
	_ =	sdelay $0x3  }
0x94: {  	_ =	strace s2  }
0x95: {  	s2 =	sld [smem:$0x3FFD];
	_ =	sdelay $0x3  }
0x96: {  	_ =	strace s2  }
0x97: {  	_ =	strace $0x8FFFFFFF  }
0x98: {  	s18 =	sld [smem:$0x3FDB];
	_ =	sdelay $0x1  }
0x99: {  	s19 =	simm.s32 $_scs_section_size  }
0x9a: {  	s4 =	simm.s32 $_size__tile_overlayer_lowered;
	s5 =	simm.s32 $_tile_overlayer_lowered  }
0x9b: {  	s22 =	simm.s32 $0x1BFF;
	s21 =	sshll.u32 s5, $0x1;
	s2 =	sadd.s32 s19, s18  }
0x9c: {  	s6 =	simm.s32 $0x0;
	s20 =	sshll.u32 s4, $0x1;
	s4 =	sadd.s32 s21, s2  }
0x9d: {  	[timem:s6], [sflag:s22] =	dma.local [hbm:s4], s20  }
0x9e: {  	_ =	swait.ge [sflag:s22], s20  }
0x9f: {  	s3 =	ssub.s32 $0x0, s20;
	[sflag:s22] =	ssyncset.done $0x0  }
0xa0: {  	[sflag:s22] =	ssyncadd.s32 s3;
	_ =	sdelay $0x1  }
0xa1: {  	s23 =	simm.s32 $0x1B8B  }
0xa2: {  	_ =	swait.ge [sflag:s23], $0x1  }
0xa3: {  	[sflag:s23] =	ssyncset.done $0x0  }
0xa4: {  	s25 =	simm.s32 $0x1B8E;
	s24 =	sld [smem:$0x3FFE];
	[sflag:s23] =	ssyncadd.s32 $0xFFFFFFFF  }
0xa5: {  	s26 =	simm.s32 $execute0_lowered;
	[smem:$0x3FD2] =	sst s25  }
0xa6: {  	s4 =	sshll.u32 s26, $0x1;
	_ =	strace $0x80000046;
	[dreg:$0x1] =	wrdreg $0xFFFFFFFF  }
0xa7: {  	s28 =	simm.s32 $_size_execute0_lowered;
	s2 =	sadd.s32 s2, s4;
	[dreg:$0x0] =	wrdreg $0x0  }
0xa8: {  	s4 =	sshll.u32 s28, $0x1;
	[dreg:$0x2] =	wrdreg s2  }
0xa9: {  	[dreg:$0x3] =	wrdreg s4  }
0xaa: {  	[dreg:$0x4] =	wrdreg $0xC0  }
0xab: {  	_ =	task [dreg:s6], $0x5FFFF  }
0xac: {  	[dreg:$0x1] =	wrdreg $0xFFFFFFFF  }
0xad: {  	[dreg:$0x0] =	wrdreg $0x60  }
0xae: {  	[dreg:$0x2] =	wrdreg s24  }
0xaf: {  	[dreg:$0x3] =	wrdreg $0x9  }
0xb0: {  	_ =	task.clear_ibuf [dreg:s6], $0x4FFFF;
	_ =	strace $0x90000046  }
0xb1: {  	s29 =	simm.s32 $0x9;
	_ =	strace $0x80000048  }
0xb2: {  	_ =	swait.ge [sflag:s29], $0x1  }
0xb3: {  	[sflag:s29] =	ssyncadd.s32 $0xFFFFFFFF  }
0xb4: {  	_ =	strace $0x90000048  }
0xb5: {  	_ =	sfence  }
0xb6: {  	s30 =	sld [smem:$0x0];
	_ =	sdelay $0x2  }
0xb7: {  	s31 =	sshll.u32 s1, $0xD;
	s1 =	sshrl.u32 s1, $0x2  }
0xb8: {  	s3 =	sand.u32 $0x4000, s31;
	s1 =	sadd.s32 s1, s30  }
0xb9: {  	s0 =	sor.u32 s3, s0;
	s1 =	sshll.u32 s1, $0x11  }
0xba: {  	s0 =	sor.u32 s1, s0  }
0xbb: {  	s0 =	sadd.s32 $0x8F2B, s0  }
0xbc: {  	[sflag:s0] =	ssyncadd.remote.s32 $0x1  }
0xbd: {  	_ =	sfence.sel $0xFFFF  }
0xbe: {  	[dreg:$0x0] =	wrdreg $0xFFFFFFFF;
	(pc) =	sbr.abs _section_cstart, $3  }
0xbf: {  	[dreg:$0x1] =	wrdreg $0xFFFFFFFF  }
0xc0: {  	_ =	task.clear_ibuf [dreg:s6], $0x2FFFF;
	_ =	strace $0x9FFFFFFF  }
0xc1: {  	(tm) =	ssettm $0x7FFFFFFF  }
tec
execute0_lowered:
.L_overlay_start_1:
0x0: {  	(tag) =	ssettag $0x1  }
0x1: {  	s0 =	rddreg [dreg:$0x0];
	s2 =	simm.s32 $0x0  }
0x2: {  	s1 =	srdreg.scid;
	s15 =	stileid.u32;
	s17 =	simm.s32 $0x1  }
0x3: {  	s24 =	simm.s32 $0x1E80;
	s25 =	simm.s32 $0x2250;
	s26 =	simm.s32 $0x2680  }
0x4: {  	[smem:$0x7FF] =	sst s2;
	s1 =	sand.u32 $0x1, s1;
	s3 =	sadd.s32 $0x400, s0  }
0x5: {  	s5 =	sshll.u32 s15, $0x1;
	s4 =	sadd.s32 $0x1EC00, s0;
	p0 =	sgt.u32 s15, $0x4  }
0x6: {  	_ =	strace $0x80000047;
	s6 =	ssub.s32 $0x2, s1;
	s5 =	sor.u32 s1, s5  }
0x7: {  	s31 =	sshrl.u32 s6, $0x1;
	s7 =	sor.u32 $0x60, s5;
	s8 =	sor.u32 $0x80, s5  }
0x8: {  	s9 =	sor.u32 $0xA0, s5;
	s10 =	sor.u32 $0xC0, s5;
	s1 =	sor.u32 $0x3C0, s5  }
.Ltmp0:
0x9: {  	s11 =	sor.u32 $0xE0, s5;
	s14 =	sshll.u32 s1, $0x7;
	(pc) =	sbr.rel .LBB2_1-.Ltmp0, $4  }
0xa: {  	s12 =	sor.u32 $0x100, s5;
	s1 =	sshll.u32 s1, $0x1;
	s14 =	sadd.s32 s3, s14  }
0xb: {  	s0 =	ssub.s32 s6, s31;
	s1 =	sadd.s32 s4, s1;
	[dreg:$0x2] =	wrdreg s14  }
0xc: {  	s13 =	sor.u32 $0x120, s5;
	s0 =	smax.u32 s0, $0x1;
	[dreg:$0x3] =	wrdreg s1  }
0xd: {  	v0 =	vlaneseq.u32;
	s6 =	sor.u32 $0x40, s5;
	[dreg:$0x4] =	wrdreg s0;
	s1 =	simm.s32 $0x0  }
.LBB2_9:
0xe: {  	s1 =	sadd.s32 $0x1, s1;
	s0 =	rddreg [dreg:$0x4]  }
0xf: {  	p1 =	sne.s32 s1, s0  }
.Ltmp1:
0x10: {  	_ = 	snop;
	(pc) =	sbr.rel @!p1 .LBB2_10-.Ltmp1, $1  }
0x11: {  	_ =	sdelay $0x3  }
.LBB2_1:
0x12: {  	[dreg:$0x5] =	wrdreg s1;
	s29 =	simm.s32 $0x0  }
.LBB2_2:
0x13: {  	s18 =	smul.u32 $0x140, s29;
	_ =	sdelay $0x1  }
0x14: {  	s19 =	sor.u32 s5, s18  }
0x15: {  	s0 =	sshll.u32 s19, $0x7  }
0x16: {  	s20 =	simm.s32 $0x0;
	s0 =	sadd.s32 s3, s0  }
0x17: {  	[tilespmem:s20], [sflag:$0x1] =	stream.linear.gather [hbm4b:s0+s20], $0x3D0, $0x38;
	[tilespmem:$0x2700] =	vst v63  }
0x18: {  	s30 =	sor.u32 $0x20, s19;
	_ =	swait.ge [sflag:s17], $0x3D0  }
0x19: {  	s1 =	sshll.u32 s30, $0x7;
	[sflag:s17] =	ssyncset.done $0x0  }
0x1a: {  	s0 =	sadd.s32 s3, s1;
	s1 =	simm.s32 $0x3D0;
	[sflag:s17] =	ssyncadd.s32 $0xFFFFFC30  }
0x1b: {  	[tilespmem:s1], [sflag:$0x1] =	stream.linear.gather [hbm4b:s0+s20], $0x3D0, $0x38;
	[tilespmem:$0x2700] =	vst v63  }
0x1c: {  	s31 =	sadd.s32 s6, s18;
	_ =	swait.ge [sflag:s17], $0x3D0  }
0x1d: {  	s14 =	sshll.u32 s31, $0x7;
	[sflag:s17] =	ssyncset.done $0x0  }
0x1e: {  	s15 =	simm.s32 $0x7A0;
	s0 =	sadd.s32 s3, s14;
	[sflag:s17] =	ssyncadd.s32 $0xFFFFFC30  }
0x1f: {  	[tilespmem:s15], [sflag:$0x1] =	stream.linear.gather [hbm4b:s0+s20], $0x3D0, $0x38;
	[tilespmem:$0x2700] =	vst v63  }
0x20: {  	s0 =	sadd.s32 s7, s18;
	_ =	swait.ge [sflag:s17], $0x3D0  }
0x21: {  	s16 =	sshll.u32 s0, $0x7;
	[sflag:s17] =	ssyncset.done $0x0  }
0x22: {  	s14 =	simm.s32 $0xB70;
	s1 =	sadd.s32 s3, s16;
	[sflag:s17] =	ssyncadd.s32 $0xFFFFFC30  }
0x23: {  	[tilespmem:s14], [sflag:$0x1] =	stream.linear.gather [hbm4b:s1+s20], $0x3D0, $0x38;
	[tilespmem:$0x2700] =	vst v63  }
0x24: {  	s1 =	sadd.s32 s8, s18;
	_ =	swait.ge [sflag:s17], $0x3D0  }
0x25: {  	s21 =	sshll.u32 s1, $0x7;
	[sflag:s17] =	ssyncset.done $0x0  }
0x26: {  	s15 =	simm.s32 $0xF40;
	s14 =	sadd.s32 s3, s21;
	[sflag:s17] =	ssyncadd.s32 $0xFFFFFC30  }
0x27: {  	[tilespmem:s15], [sflag:$0x1] =	stream.linear.gather [hbm4b:s14+s20], $0x3D0, $0x38;
	[tilespmem:$0x2700] =	vst v63  }
0x28: {  	s14 =	sadd.s32 s9, s18;
	_ =	swait.ge [sflag:s17], $0x3D0  }
0x29: {  	s22 =	sshll.u32 s14, $0x7;
	[sflag:s17] =	ssyncset.done $0x0  }
0x2a: {  	s21 =	simm.s32 $0x1310;
	s15 =	sadd.s32 s3, s22;
	[sflag:s17] =	ssyncadd.s32 $0xFFFFFC30  }
0x2b: {  	[tilespmem:s21], [sflag:$0x1] =	stream.linear.gather [hbm4b:s15+s20], $0x3D0, $0x38;
	[tilespmem:$0x2700] =	vst v63  }
0x2c: {  	s15 =	sadd.s32 s10, s18;
	_ =	swait.ge [sflag:s17], $0x3D0  }
0x2d: {  	s16 =	sshll.u32 s15, $0x7;
	[sflag:s17] =	ssyncset.done $0x0  }
0x2e: {  	s22 =	simm.s32 $0x16E0;
	s16 =	sadd.s32 s3, s16;
	[sflag:s17] =	ssyncadd.s32 $0xFFFFFC30  }
0x2f: {  	[tilespmem:s22], [sflag:$0x1] =	stream.linear.gather [hbm4b:s16+s20], $0x3D0, $0x38;
	[tilespmem:$0x2700] =	vst v63  }
0x30: {  	s16 =	sadd.s32 s11, s18;
	_ =	swait.ge [sflag:s17], $0x3D0  }
0x31: {  	s28 =	sshll.u32 s16, $0x7;
	[sflag:s17] =	ssyncset.done $0x0  }
0x32: {  	s23 =	simm.s32 $0x1AB0;
	s28 =	sadd.s32 s3, s28;
	[sflag:s17] =	ssyncadd.s32 $0xFFFFFC30  }
0x33: {  	[tilespmem:s23], [sflag:$0x1] =	stream.linear.gather [hbm4b:s28+s20], $0x3D0, $0x38;
	[tilespmem:$0x2700] =	vst v63  }
0x34: {  	s28 =	sadd.s32 s12, s18;
	_ =	swait.ge [sflag:s17], $0x3D0  }
0x35: {  	s23 =	sshll.u32 s28, $0x7;
	[sflag:s17] =	ssyncset.done $0x0  }
0x36: {  	s22 =	sadd.s32 s3, s23;
	[sflag:s17] =	ssyncadd.s32 $0xFFFFFC30  }
0x37: {  	[tilespmem:s24], [sflag:$0x1] =	stream.linear.gather [hbm4b:s22+s20], $0x3D0, $0x38;
	[tilespmem:$0x2700] =	vst v63  }
0x38: {  	s18 =	sadd.s32 s13, s18;
	_ =	swait.ge [sflag:s17], $0x3D0  }
0x39: {  	s23 =	sshll.u32 s18, $0x7;
	[sflag:s17] =	ssyncset.done $0x0  }
0x3a: {  	s22 =	sadd.s32 s3, s23;
	[sflag:s17] =	ssyncadd.s32 $0xFFFFFC30  }
0x3b: {  	[tilespmem:s25], [sflag:$0x1] =	stream.linear.gather [hbm4b:s22+s20], $0x3D0, $0x38;
	[tilespmem:$0x2700] =	vst v63  }
0x3c: {  	_ =	swait.ge [sflag:s17], $0x3D0  }
0x3d: {  	[sflag:s17] =	ssyncset.done $0x0  }
0x3e: {  	[sflag:s17] =	ssyncadd.s32 $0xFFFFFC30  }
0x3f: {  	v1 =	vld [tilespmem:s21+$0xFFFFF490]  }
0x40: {  	v2 =	vld [tilespmem:s21+$0xFFFFF0C0]  }
0x41: {  	s23 =	sand.u32 $0x3F0, s20;
	v3 =	vld [tilespmem:s21+$0xFFFFF860]  }
0x42: {  	v4 =	vld [tilespmem:s23+$0x1E80]  }
0x43: {  	v6 =	vor.u32 s20, v0;
	v5 =	vld [tilespmem:s21+$0xF40]  }
0x44: {  	v7 =	vld [tilespmem:s21+$0xFFFFFC30];
	(xrf1) =	vsort.ascd.msk.f32 $0xffff, v1, v6  }
0x45: {  	(xrf1) =	vsort.ascd.msk.f32 $0xffff, v2, v6  }
0x46: {  	(xrf1) =	vsort.ascd.msk.f32 $0xffff, v3, v6  }
0x47: {  	v1 =	vld [tilespmem:s21+$0x3D0];
	(xrf1) =	vsort.ascd.msk.f32 $0xffff, v4, v6  }
0x48: {  	v2 =	vld [tilespmem:s21+$0xFFFFECF0];
	(xrf1) =	vsort.ascd.msk.f32 $0xffff, v5, v6  }
0x49: {  	(xrf1) =	vsort.ascd.msk.f32 $0xffff, v7, v6;
	_ =	sdelay $0x2  }
0x4a: {  	(xrf1) =	vsort.ascd.msk.f32 $0xffff, v1, v6  }
0x4b: {  	(xrf1) =	vsort.ascd.msk.f32 $0xffff, v2, v6;
	_ =	sdelay $0x2  }
0x4c: {  	v1 =	vld [tilespmem:s21+$0x7A0]  }
0x4d: {  	v2 =	vld [tilespmem:s21+$0x0]  }
0x4e: {  	v4 =	vimm.f32 $-3.402823470e+38;
	v5 =	vimm.s32 $0x0;
	v3, v7, _ =	vpop (xrf1)  }
0x4f: {  	v8, v9, _ =	vpop (xrf1);
	vm0 =	veq.f32 v4, v3;
	vm1 =	vlt.s32 v5, v7  }
0x50: {  	s22 =	simm.s32 $0x1320;
	vm2 =	vgt.f32 v4, v3;
	v10, v11, _ =	vpop (xrf1);
	vm0 =	vmand vm0, vm1  }
0x51: {  	v12 =	vld [tilespmem:s22+$0xFFFFF490];
	s23 =	simm.s32 $0x10;
	(xrf1) =	vsort.ascd.msk.f32 $0xffff, v1, v6;
	v15, v16, _ =	vpop (xrf1);
	vm0 =	vmor vm2, vm0  }
0x52: {  	v13 =	vld [tilespmem:s22+$0xFFFFF0C0];
	v1 =	vor.u32 s23, v0;
	(xrf1) =	vsort.ascd.msk.f32 $0xffff, v2, v6;
	vm2 =	vgt.f32 v4, v10;
	v17, v18, _ =	vpop (xrf1);
	v7 =	vsel vm0, v5, v7  }
0x53: {  	s20 =	sand.u32 $0x3F0, s23;
	v2 =	vld [tilespmem:s22+$0xFFFFF860];
	vm4 =	vlt.s32 v5, v11;
	v3 =	vsel vm0, v4, v3;
	v6, v14, _ =	vpop (xrf1);
	vm5 =	vgt.f32 v4, v17  }
0x54: {  	v19 =	vld [tilespmem:s20+$0x1E80];
	vm6 =	veq.f32 v4, v17;
	vm0 =	veq.f32 v4, v6;
	vm1 =	vlt.s32 v5, v14  }
0x55: {  	v20 =	vld [tilespmem:s22+$0xF40];
	(xrf1) =	vsort.dscd.msk.f32 $0xffff, v3, v7;
	vm3 =	vgt.f32 v4, v6;
	vm0 =	vmand vm0, vm1;
	vm1 =	veq.f32 v4, v10  }
0x56: {  	(xrf1) =	vsort.ascd.msk.f32 $0xffff, v12, v1;
	v3, v7, _ =	vpop (xrf1);
	vm0 =	vmor vm3, vm0;
	vm1 =	vmand vm1, vm4;
	vm4 =	vlt.s32 v5, v18  }
0x57: {  	v12, v21, _ =	vpop (xrf1);
	(xrf1) =	vsort.ascd.msk.f32 $0xffff, v13, v1;
	v6 =	vsel vm0, v4, v6;
	vm1 =	vmor vm2, vm1;
	vm2 =	vgt.f32 v4, v3  }
0x58: {  	v13 =	vld [tilespmem:s22+$0xFFFFFC30];
	vm3 =	veq.f32 v4, v12;
	(xrf1) =	vsort.ascd.msk.f32 $0xffff, v2, v1;
	vm7 =	vlt.s32 v5, v21  }
0x59: {  	v22 =	vld [tilespmem:s22+$0x3D0];
	vm8 =	vgt.f32 v4, v12;
	v2 =	vsel vm1, v5, v11;
	(xrf1) =	vsort.ascd.msk.f32 $0xffff, v19, v1  }
0x5a: {  	v10 =	vsel vm1, v4, v10;
	vm1 =	vmand vm3, vm7;
	vm3 =	veq.f32 v4, v3;
	(xrf1) =	vsort.ascd.msk.f32 $0xffff, v20, v1  }
0x5b: {  	vm7 =	vlt.s32 v5, v7;
	(xrf1) =	vsort.dscd.msk.f32 $0xffff, v10, v2;
	v2 =	vsel vm0, v5, v14  }
0x5c: {  	vm0 =	vmor vm8, vm1;
	vm1 =	vmand vm3, vm7;
	vm3 =	veq.f32 v4, v15  }
0x5d: {  	(xrf1) =	vsort.ascd.msk.f32 $0xffff, v13, v1;
	v11 =	vsel vm0, v4, v12;
	vm1 =	vmor vm2, vm1;
	v12 =	vsel vm0, v5, v21  }
0x5e: {  	v10 =	vld [tilespmem:s22+$0xFFFFECF0];
	vm0 =	vmand vm6, vm4;
	vm2 =	veq.f32 v4, v8;
	vm4 =	vgt.f32 v4, v8;
	(xrf1) =	vsort.ascd.msk.f32 $0xffff, v22, v1  }
0x5f: {  	vm6 =	vgt.f32 v4, v15;
	v3 =	vsel vm1, v4, v3;
	vm0 =	vmor vm5, vm0;
	(xrf1) =	vsort.dscd.msk.f32 $0xffff, v6, v2  }
0x60: {  	v2 =	vsel vm1, v5, v7;
	v7, v6, _ =	vpop (xrf1);
	vm1 =	vlt.s32 v5, v16;
	v13 =	vsel vm0, v5, v18  }
0x61: {  	(xrf1) =	vsort.dscd.msk.f32 $0xffff, v11, v12;
	v12, v14, _ =	vpop (xrf1);
	v11 =	vsel vm0, v4, v17;
	vm0 =	vlt.s32 v5, v9  }
0x62: {  	v19 =	vld [tilespmem:s22+$0x7A0];
	vm3 =	vmand vm3, vm1;
	vm5 =	veq.f32 v4, v12;
	vm1 =	vmand vm2, vm0  }
0x63: {  	(xrf1) =	vsort.ascd.msk.f32 $0xffff, v10, v1;
	vm2 =	vlt.s32 v5, v14;
	vm0 =	vgt.f32 v4, v7;
	vm3 =	vmor vm6, vm3;
	v18, v17, _ =	vpop (xrf1)  }
0x64: {  	(xrf1) =	vsort.dscd.msk.f32 $0xffff, v11, v13;
	vm4 =	vmor vm4, vm1;
	vm1 =	vmand vm5, vm2;
	vm2 =	vlt.s32 v5, v6;
	v22, v21, _ =	vpop (xrf1)  }
0x65: {  	v15 =	vsel vm3, v4, v15;
	v16 =	vsel vm3, v5, v16;
	vm5 =	veq.f32 v4, v7;
	v13, v11, _ =	vpop (xrf1)  }
0x66: {  	v20 =	vimm.f32 $-3.402823470e+38;
	(xrf1) =	vsort.dscd.msk.f32 $0xffff, v3, v2;
	v23 =	vsel vm4, v4, v8;
	v24 =	vsel vm4, v5, v9;
	v8, v10, _ =	vpop (xrf1)  }
0x67: {  	s20 =	simm.s32 $0x20;
	s21 =	simm.s32 $0x1330;
	v9 =	vld [tilespmem:s22+$0x0];
	vm3 =	veq.f32 v18, v22;
	vm4 =	vlt.s32 v17, v21;
	(xrf1) =	vsort.ascd.msk.f32 $0xffff, v19, v1;
	v19 =	vimm.s32 $0x0;
	v3, v2, _ =	vpop (xrf1)  }
.LBB2_3:
0x68: {  	vm6 =	vgt.f32 v18, v22;
	vm3 =	vmand vm3, vm4  }
0x69: {  	vm3 =	vmor vm6, vm3  }
0x6a: {  	s22 =	sand.u32 $0x3F0, s20;
	v26, v27, _ =	vpop (xrf1);
	v18 =	vsel vm3, v18, v22  }
0x6b: {  	v25 =	vld [tilespmem:s21+$0xFFFFF490];
	p1 =	sne.s32 s20, $0x3C0;
	vm2 =	vmand vm5, vm2;
	(xrf1) =	vsort.dscd.msk.f32 $0xffff, v15, v16;
	v16 =	vmovc v13;
	v15 =	vmov v11;
	s23 =	smov.u32 s20;
	s20 =	sadd.s32 $0x10, s20;
	v17 =	vsel vm3, v17, v21  }
0x6c: {  	vm4 =	vgt.f32 v4, v12;
	v11 =	vld [tilespmem:s21+$0xFFFFF860];
	vm0 =	vmor vm0, vm2;
	(xrf1) =	vsort.dscd.msk.f32 $0xffff, v23, v24;
	v13, v23, _ =	vpop (xrf1)  }
0x6d: {  	vm1 =	vmor vm4, vm1;
	v24 =	vld [tilespmem:s21+$0xFFFFF0C0];
	v21, v22, _ =	vpop (xrf1);
	(xrf1) =	vsort.ascd.msk.f32 $0xffff, v9, v1  }
0x6e: {  	v5 =	vsel vm1, v5, v14;
	v28 =	vld [tilespmem:s21+$0x7A0];
	(xrf1) =	vsort.dscd.msk.f32 $0xffff, v18, v17;
	v17, v18, _ =	vpop (xrf1)  }
0x6f: {  	v4 =	vsel vm1, v4, v12;
	v7 =	vsel vm0, v20, v7;
	v6 =	vsel vm0, v19, v6;
	v14 =	vld [tilespmem:s21+$0xF40];
	v12, v19, _ =	vpop (xrf1)  }
0x70: {  	v1 =	vor.u32 s23, v0;
	v20 =	vld [tilespmem:s21+$0xFFFFFC30];
	vm0 =	veq.f32 v12, v21;
	vm1 =	vlt.s32 v19, v22;
	v29, v30, _ =	vpop (xrf1);
	(xrf1) =	vsort.dscd.msk.f32 $0xffff, v4, v5  }
0x71: {  	vm2 =	vgt.f32 v13, v8;
	vm3 =	vgt.f32 v12, v21;
	v4 =	vld [tilespmem:s22+$0x1E80];
	vm0 =	vmand vm0, vm1;
	(xrf1) =	vsort.dscd.msk.f32 $0xffff, v7, v6  }
0x72: {  	vm4 =	vlt.s32 v23, v10;
	vm1 =	veq.f32 v13, v8;
	v9 =	vld [tilespmem:s21+$0x0];
	(xrf1) =	vsort.ascd.msk.f32 $0xffff, v25, v1;
	vm0 =	vmor vm3, vm0;
	v5, v25, _ =	vpop (xrf1)  }
0x73: {  	vm1 =	vmand vm1, vm4;
	v31 =	vld [tilespmem:s21+$0x3D0];
	(xrf1) =	vsort.ascd.msk.f32 $0xffff, v24, v1;
	vm3 =	veq.f32 v29, v5;
	v12 =	vsel vm0, v12, v21;
	v21, v24, _ =	vpop (xrf1)  }
0x74: {  	vm4 =	vgt.f32 v21, v26;
	vm5 =	veq.f32 v21, v26;
	vm6 =	vlt.s32 v24, v27;
	v32, v33, _ =	vpop (xrf1)  }
0x75: {  	vm7 =	vlt.s32 v30, v25;
	vm1 =	vmor vm2, vm1;
	(xrf1) =	vsort.ascd.msk.f32 $0xffff, v11, v1;
	vm2 =	vgt.f32 v32, v17  }
0x76: {  	vm8 =	vgt.f32 v29, v5;
	vm5 =	vmand vm5, vm6;
	(xrf1) =	vsort.ascd.msk.f32 $0xffff, v4, v1;
	v4 =	vsel vm1, v23, v10;
	v7, v6, _ =	vpop (xrf1)  }
0x77: {  	v8 =	vsel vm1, v13, v8;
	v10 =	vsel vm0, v19, v22;
	(xrf1) =	vsort.ascd.msk.f32 $0xffff, v14, v1  }
0x78: {  	vm0 =	vmand vm3, vm7;
	vm1 =	veq.f32 v32, v17;
	vm3 =	vlt.s32 v33, v18;
	(xrf1) =	vsort.dscd.msk.f32 $0xffff, v8, v4  }
0x79: {  	vm0 =	vmor vm8, vm0;
	vm1 =	vmand vm1, vm3;
	vm3 =	vmor vm4, vm5;
	v4 =	vld [tilespmem:s21+$0xFFFFECF0];
	(xrf1) =	vsort.ascd.msk.f32 $0xffff, v20, v1;
	v34, v35, _ =	vpop (xrf1)  }
0x7a: {  	v5 =	vsel vm0, v29, v5;
	vm1 =	vmor vm2, vm1;
	(xrf1) =	vsort.ascd.msk.f32 $0xffff, v31, v1;
	v8, v29, _ =	vpop (xrf1)  }
0x7b: {  	v11 =	vsel vm0, v30, v25;
	v13 =	vsel vm1, v32, v17;
	(xrf1) =	vsort.dscd.msk.f32 $0xffff, v12, v10;
	v12, v14, _ =	vpop (xrf1)  }
0x7c: {  	vm0 =	vlt.s32 v35, v2;
	v10 =	vsel vm1, v33, v18;
	(xrf1) =	vsort.dscd.msk.f32 $0xffff, v5, v11;
	v18, v17, _ =	vpop (xrf1)  }
0x7d: {  	vm2 =	veq.f32 v34, v3;
	vm1 =	veq.f32 v8, v16;
	v11 =	vsel vm3, v21, v26  }
0x7e: {  	v23 =	vsel vm3, v24, v27;
	vm4 =	vgt.f32 v8, v16;
	(xrf1) =	vsort.ascd.msk.f32 $0xffff, v4, v1;
	v4, v5, _ =	vpop (xrf1)  }
0x7f: {  	vm6 =	vmand vm2, vm0;
	vm3 =	vlt.s32 v29, v15;
	vm5 =	veq.f32 v4, v12;
	(xrf1) =	vsort.dscd.msk.f32 $0xffff, v11, v23;
	v20, v19, _ =	vpop (xrf1)  }
.Ltmp2:
0x80: {  	vm1 =	vmand vm1, vm3;
	vm2 =	vlt.s32 v5, v14;
	v22, v21, _ =	vpop (xrf1);
	vm0 =	vgt.f32 v20, v7;
	(xrf1) =	vsort.dscd.msk.f32 $0xffff, v13, v10;
	(pc) =	sbr.rel @p1 .LBB2_3-.Ltmp2, $4  }
0x81: {  	vm3 =	vmor vm4, vm1;
	vm4 =	vgt.f32 v34, v3;
	vm1 =	vmand vm5, vm2;
	v13, v11, _ =	vpop (xrf1)  }
0x82: {  	v23 =	vsel vm3, v8, v16;
	vm4 =	vmor vm4, vm6;
	vm2 =	vlt.s32 v19, v6;
	(xrf1) =	vsort.ascd.msk.f32 $0xffff, v28, v1  }
0x83: {  	v24 =	vsel vm3, v29, v15;
	v15 =	vsel vm4, v34, v3;
	v16 =	vsel vm4, v35, v2;
	v8, v10, _ =	vpop (xrf1)  }
0x84: {  	s21 =	sadd.s32 $0x10, s21;
	vm5 =	veq.f32 v20, v7;
	vm3 =	veq.f32 v18, v22;
	vm4 =	vlt.s32 v17, v21;
	v3, v2, _ =	vpop (xrf1)  }
0x85: {  	vm6 =	vgt.f32 v18, v22;
	vm3 =	vmand vm3, vm4;
	v25, v26, _ =	vpop (xrf1);
	(xrf1) =	vsort.dscd.msk.f32 $0xffff, v15, v16;
	vm15 =	vgt.f32 v4, v12  }
0x86: {  	vm2 =	vmand vm5, vm2;
	vm3 =	vmor vm6, vm3;
	(xrf1) =	vsort.dscd.msk.f32 $0xffff, v23, v24;
	v15, v16, _ =	vpop (xrf1);
	vm1 =	vmor vm15, vm1  }
0x87: {  	vm0 =	vmor vm0, vm2;
	v36 =	vsel vm3, v18, v22;
	v17 =	vsel vm3, v17, v21;
	v38, v37, _ =	vpop (xrf1);
	(xrf1) =	vsort.ascd.msk.f32 $0xffff, v9, v1  }
0x88: {  	v5 =	vsel vm1, v5, v14;
	v39 =	vsel vm1, v4, v12;
	v7 =	vsel vm0, v20, v7  }
0x89: {  	v6 =	vsel vm0, v19, v6;
	vm10 =	vgt.f32 v15, v8;
	(xrf1) =	vsort.dscd.msk.f32 $0xffff, v36, v17;
	v1, v9, _ =	vpop (xrf1)  }
0x8a: {  	vm12 =	veq.f32 v15, v8;
	vm13 =	vlt.s32 v16, v10;
	v41, v40, _ =	vpop (xrf1);
	(xrf1) =	vsort.dscd.msk.f32 $0xffff, v39, v5  }
0x8b: {  	vm1 =	vmand vm12, vm13;
	vm8 =	veq.f32 v41, v38;
	vm9 =	vlt.s32 v40, v37  }
0x8c: {  	vm1 =	vmor vm10, vm1;
	vm11 =	vgt.f32 v41, v38;
	v4, v5, _ =	vpop (xrf1);
	vm0 =	vmand vm8, vm9  }
0x8d: {  	(xrf1) =	vsort.dscd.msk.f32 $0xffff, v7, v6;
	v44 =	vsel vm1, v16, v10;
	v6, v7, _ =	vpop (xrf1);
	vm0 =	vmor vm11, vm0  }
0x8e: {  	v45 =	vsel vm1, v15, v8;
	vm14 =	veq.f32 v4, v6;
	v12 =	vsel vm0, v41, v38  }
0x8f: {  	v17, v18, _ =	vpop (xrf1);
	vm7 =	vlt.s32 v5, v7;
	vm15 =	vgt.f32 v4, v6;
	v14 =	vsel vm0, v40, v37  }
0x90: {  	vm4 =	vgt.f32 v17, v25;
	vm5 =	veq.f32 v17, v25;
	vm6 =	vlt.s32 v18, v26;
	v43, v42, _ =	vpop (xrf1)  }
0x91: {  	vm12 =	vmand vm14, vm7;
	vm13 =	veq.f32 v43, v1;
	vm14 =	vlt.s32 v42, v9  }
0x92: {  	vm8 =	vgt.f32 v43, v1;
	vm1 =	vmor vm15, vm12;
	vm15 =	vmand vm13, vm14  }
0x93: {  	(xrf1) =	vsort.dscd.msk.f32 $0xffff, v45, v44;
	v47, v46, _ =	vpop (xrf1);
	v5 =	vsel vm1, v5, v7;
	vm7 =	vmor vm8, vm15;
	vm8 =	vmand vm5, vm6  }
0x94: {  	(xrf1) =	vsort.dscd.msk.f32 $0xffff, v12, v14;
	v4 =	vsel vm1, v4, v6;
	vm9 =	vmor vm4, vm8;
	v8, v10, _ =	vpop (xrf1)  }
0x95: {  	v1 =	vsel vm7, v43, v1;
	v9 =	vsel vm7, v42, v9;
	v52 =	vsel vm9, v18, v26;
	v49, v48, _ =	vpop (xrf1)  }
0x96: {  	vm10 =	vlt.s32 v10, v2;
	vm12 =	veq.f32 v8, v3;
	v50, v51, _ =	vpop (xrf1);
	vm11 =	veq.f32 v49, v13  }
0x97: {  	(xrf1) =	vsort.dscd.msk.f32 $0xffff, v4, v5;
	vm13 =	vgt.f32 v49, v13;
	vm14 =	vlt.s32 v48, v11;
	vm0 =	vmand vm12, vm10;
	v4, v5, _ =	vpop (xrf1)  }
0x98: {  	vm1 =	vmand vm11, vm14;
	vm11 =	vgt.f32 v8, v3;
	v4 =	vsel vm9, v17, v25;
	v53, v54, _ =	vpop (xrf1)  }
0x99: {  	vm1 =	vmor vm13, vm1;
	vm0 =	vmor vm11, vm0;
	vm15 =	veq.f32 v53, v50;
	(xrf1) =	vsort.dscd.msk.f32 $0xffff, v4, v52  }
0x9a: {  	vm9 =	vlt.s32 v54, v51;
	v3 =	vsel vm0, v8, v3;
	v2 =	vsel vm0, v10, v2  }
0x9b: {  	vm14 =	vgt.f32 v53, v50;
	v55 =	vsel vm1, v48, v11;
	(xrf1) =	vsort.dscd.msk.f32 $0xffff, v1, v9;
	vm2 =	vmand vm15, vm9;
	v4, v14, _ =	vpop (xrf1)  }
0x9c: {  	v1 =	vsel vm1, v49, v13;
	vm12 =	vlt.s32 v14, v46;
	vm13 =	veq.f32 v4, v47  }
0x9d: {  	(xrf1) =	vsort.dscd.msk.f32 $0xffff, v3, v2;
	vm15 =	vmor vm14, vm2;
	vm10 =	vgt.f32 v4, v47;
	vm0 =	vmand vm13, vm12  }
0x9e: {  	(xrf1) =	vsort.dscd.msk.f32 $0xffff, v1, v55;
	v1 =	vsel vm15, v54, v51;
	v2 =	vsel vm15, v53, v50;
	vm0 =	vmor vm10, vm0  }
0x9f: {  	(xrf1) =	vsort.dscd.msk.f32 $0xffff, v2, v1;
	v3 =	vsel vm0, v4, v47;
	v56 =	vsel vm0, v14, v46  }
0xa0: {  	(xrf1) =	vsort.dscd.msk.f32 $0xffff, v3, v56;
	_ =	sdelay $0x5  }
0xa1: {  	v1, v2, _ =	vpop (xrf1)  }
0xa2: {  	v1, v3, _ =	vpop (xrf1)  }
0xa3: {  	v1, v57, _ =	vpop (xrf1)  }
0xa4: {  	v1, v58, _ =	vpop (xrf1)  }
0xa5: {  	v1, v59, _ =	vpop (xrf1)  }
0xa6: {  	v1, v60, _ =	vpop (xrf1)  }
0xa7: {  	s19 =	sshll.u32 s19, $0x1;
	v1, v61, _ =	vpop (xrf1)  }
0xa8: {  	s19 =	sadd.s32 s4, s19;
	[tilespmem:$0x2680] =	vst v57;
	v1, v62, _ =	vpop (xrf1)  }
0xa9: {  	[hbm4b:s19+s2] =	stream.linear.scatter [tilespmem:s26], [sflag:$0x1], $0x10, $0x38;
	v1, v63, _ =	vpop (xrf1);
	[tilespmem:$0x2700] =	vst v63  }
0xaa: {  	_ =	swait.ge [sflag:s17], $0x10  }
0xab: {  	[sflag:s17] =	ssyncset.done $0x0  }
0xac: {  	s30 =	sshll.u32 s30, $0x1;
	[sflag:s17] =	ssyncadd.s32 $0xFFFFFFF0  }
0xad: {  	s19 =	sadd.s32 s4, s30;
	[tilespmem:$0x2680] =	vst v61  }
0xae: {  	[hbm4b:s19+s2] =	stream.linear.scatter [tilespmem:s26], [sflag:$0x1], $0x10, $0x38;
	[tilespmem:$0x2700] =	vst v63  }
0xaf: {  	_ =	swait.ge [sflag:s17], $0x10  }
0xb0: {  	[sflag:s17] =	ssyncset.done $0x0  }
0xb1: {  	s31 =	sshll.u32 s31, $0x1;
	[sflag:s17] =	ssyncadd.s32 $0xFFFFFFF0  }
0xb2: {  	s19 =	sadd.s32 s4, s31;
	[tilespmem:$0x2680] =	vst v5  }
0xb3: {  	[hbm4b:s19+s2] =	stream.linear.scatter [tilespmem:s26], [sflag:$0x1], $0x10, $0x38;
	[tilespmem:$0x2700] =	vst v63  }
0xb4: {  	_ =	swait.ge [sflag:s17], $0x10  }
0xb5: {  	[sflag:s17] =	ssyncset.done $0x0  }
0xb6: {  	s0 =	sshll.u32 s0, $0x1;
	[sflag:s17] =	ssyncadd.s32 $0xFFFFFFF0  }
0xb7: {  	s0 =	sadd.s32 s4, s0;
	[tilespmem:$0x2680] =	vst v2  }
0xb8: {  	[hbm4b:s0+s2] =	stream.linear.scatter [tilespmem:s26], [sflag:$0x1], $0x10, $0x38;
	[tilespmem:$0x2700] =	vst v63  }
0xb9: {  	_ =	swait.ge [sflag:s17], $0x10  }
0xba: {  	[sflag:s17] =	ssyncset.done $0x0  }
0xbb: {  	s20 =	sshll.u32 s1, $0x1;
	[sflag:s17] =	ssyncadd.s32 $0xFFFFFFF0  }
0xbc: {  	s0 =	sadd.s32 s4, s20;
	[tilespmem:$0x2680] =	vst v3  }
0xbd: {  	[hbm4b:s0+s2] =	stream.linear.scatter [tilespmem:s26], [sflag:$0x1], $0x10, $0x38;
	[tilespmem:$0x2700] =	vst v63  }
0xbe: {  	_ =	swait.ge [sflag:s17], $0x10  }
0xbf: {  	[sflag:s17] =	ssyncset.done $0x0  }
0xc0: {  	s21 =	sshll.u32 s14, $0x1;
	[sflag:s17] =	ssyncadd.s32 $0xFFFFFFF0  }
0xc1: {  	s0 =	sadd.s32 s4, s21;
	[tilespmem:$0x2680] =	vst v62  }
0xc2: {  	[hbm4b:s0+s2] =	stream.linear.scatter [tilespmem:s26], [sflag:$0x1], $0x10, $0x38;
	[tilespmem:$0x2700] =	vst v63  }
0xc3: {  	_ =	swait.ge [sflag:s17], $0x10  }
0xc4: {  	[sflag:s17] =	ssyncset.done $0x0  }
0xc5: {  	s22 =	sshll.u32 s15, $0x1;
	[sflag:s17] =	ssyncadd.s32 $0xFFFFFFF0  }
0xc6: {  	s0 =	sadd.s32 s4, s22;
	[tilespmem:$0x2680] =	vst v59  }
0xc7: {  	[hbm4b:s0+s2] =	stream.linear.scatter [tilespmem:s26], [sflag:$0x1], $0x10, $0x38;
	[tilespmem:$0x2700] =	vst v63  }
0xc8: {  	_ =	swait.ge [sflag:s17], $0x10  }
0xc9: {  	[sflag:s17] =	ssyncset.done $0x0  }
0xca: {  	s23 =	sshll.u32 s16, $0x1;
	[sflag:s17] =	ssyncadd.s32 $0xFFFFFFF0  }
0xcb: {  	s0 =	sadd.s32 s4, s23;
	[tilespmem:$0x2680] =	vst v63  }
0xcc: {  	[hbm4b:s0+s2] =	stream.linear.scatter [tilespmem:s26], [sflag:$0x1], $0x10, $0x38;
	[tilespmem:$0x2700] =	vst v63  }
0xcd: {  	_ =	swait.ge [sflag:s17], $0x10  }
0xce: {  	[sflag:s17] =	ssyncset.done $0x0  }
0xcf: {  	s30 =	sshll.u32 s28, $0x1;
	[sflag:s17] =	ssyncadd.s32 $0xFFFFFFF0  }
0xd0: {  	s0 =	sadd.s32 s4, s30;
	[tilespmem:$0x2680] =	vst v60  }
0xd1: {  	[hbm4b:s0+s2] =	stream.linear.scatter [tilespmem:s26], [sflag:$0x1], $0x10, $0x38;
	[tilespmem:$0x2700] =	vst v63  }
0xd2: {  	_ =	swait.ge [sflag:s17], $0x10  }
0xd3: {  	s29 =	sadd.s32 $0x1, s29;
	[sflag:s17] =	ssyncset.done $0x0  }
0xd4: {  	p1 =	sne.s32 s29, $0x3;
	s31 =	sshll.u32 s18, $0x1;
	[sflag:s17] =	ssyncadd.s32 $0xFFFFFFF0  }
.Ltmp3:
0xd5: {  	s0 =	sadd.s32 s4, s31;
	[tilespmem:$0x2680] =	vst v58;
	(pc) =	sbr.rel @p1 .LBB2_2-.Ltmp3, $4  }
0xd6: {  	[hbm4b:s0+s2] =	stream.linear.scatter [tilespmem:s26], [sflag:$0x1], $0x10, $0x38;
	[tilespmem:$0x2700] =	vst v63  }
0xd7: {  	_ =	swait.ge [sflag:s17], $0x10  }
0xd8: {  	[sflag:s17] =	ssyncset.done $0x0  }
0xd9: {  	[sflag:s17] =	ssyncadd.s32 $0xFFFFFFF0  }
.Ltmp4:
0xda: {  	(pc) =	sbr.rel @p0 .LBB2_9-.Ltmp4, $2  }
0xdb: {  	_ =	sdelay $0x2  }
0xdc: {  	s1 =	rddreg [dreg:$0x5]  }
0xdd: {  	s0 =	simm.s32 $0x0;
	s1 =	rddreg [dreg:$0x2]  }
0xde: {  	[tilespmem:s0], [sflag:$0x1] =	stream.linear.gather [hbm4b:s1+s0], $0x3D0, $0x38;
	[tilespmem:$0x2700] =	vst v63  }
0xdf: {  	_ =	swait.ge [sflag:s17], $0x3D0  }
0xe0: {  	[sflag:s17] =	ssyncset.done $0x0  }
0xe1: {  	[sflag:s17] =	ssyncadd.s32 $0xFFFFFC30  }
0xe2: {  	v1 =	vld [tilespmem:s0+$0x0];
	_ =	sdelay $0x3  }
0xe3: {  	v2 =	vor.u32 s0, v0  }
0xe4: {  	(xrf1) =	vsort.ascd.msk.f32 $0xffff, v1, v2;
	_ =	sdelay $0xb  }
0xe5: {  	s0 =	simm.s32 $0x10  }
0xe6: {  	v5 =	vld [tilespmem:s0+$0x0]  }
0xe7: {  	v3 =	vimm.f32 $-3.402823470e+38;
	s14 =	simm.s32 $0x10;
	s1 =	simm.s32 $0x20;
	v2 =	vimm.s32 $0x0;
	v4, v1, _ =	vpop (xrf1)  }
.LBB2_7:
0xe8: {  	p1 =	sne.s32 s1, $0x3C0;
	vm0 =	veq.f32 v3, v4;
	vm1 =	vlt.s32 v2, v1  }
0xe9: {  	vm2 =	vgt.f32 v3, v4;
	vm0 =	vmand vm0, vm1  }
0xea: {  	v6 =	vor.u32 s0, v0;
	s0 =	smov.u32 s1;
	vm0 =	vmor vm2, vm0  }
0xeb: {  	(xrf1) =	vsort.ascd.msk.f32 $0xffff, v5, v6;
	v3 =	vsel vm0, v3, v4;
	v1 =	vsel vm0, v2, v1  }
0xec: {  	(xrf1) =	vsort.dscd.msk.f32 $0xffff, v3, v1;
	_ =	sdelay $0x9  }
.Ltmp5:
0xed: {  	(pc) =	sbr.rel @p1 .LBB2_7-.Ltmp5, $4  }
0xee: {  	_ = 	snop  }
0xef: {  	s14 =	sadd.s32 $0x10, s14  }
0xf0: {  	v5 =	vld [tilespmem:s14+$0x0];
	v4, v1, _ =	vpop (xrf1)  }
0xf1: {  	s1 =	sadd.s32 $0x10, s1;
	v3, v2, _ =	vpop (xrf1)  }
0xf2: {  	vm0 =	veq.f32 v3, v4;
	vm1 =	vlt.s32 v2, v1  }
0xf3: {  	vm2 =	vgt.f32 v3, v4;
	vm0 =	vmand vm0, vm1  }
0xf4: {  	v6 =	vor.u32 s0, v0;
	vm0 =	vmor vm2, vm0  }
0xf5: {  	(xrf1) =	vsort.ascd.msk.f32 $0xffff, v5, v6;
	v3 =	vsel vm0, v3, v4;
	v1 =	vsel vm0, v2, v1  }
0xf6: {  	(xrf1) =	vsort.dscd.msk.f32 $0xffff, v3, v1;
	_ =	sdelay $0xc  }
0xf7: {  	v1, v2, _ =	vpop (xrf1)  }
0xf8: {  	v3, v4, _ =	vpop (xrf1)  }
0xf9: {  	vm13 =	veq.f32 v3, v1;
	vm14 =	vlt.s32 v4, v2  }
0xfa: {  	vm15 =	vgt.f32 v3, v1;
	vm0 =	vmand vm13, vm14  }
0xfb: {  	vm0 =	vmor vm15, vm0  }
0xfc: {  	v1 =	vsel vm0, v3, v1;
	v2 =	vsel vm0, v4, v2  }
0xfd: {  	(xrf1) =	vsort.dscd.msk.f32 $0xffff, v1, v2;
	_ =	sdelay $0xd  }
0xfe: {  	v1, v2, _ =	vpop (xrf1)  }
.Ltmp6:
0xff: {  	s31 =	rddreg [dreg:$0x3];
	[tilespmem:$0x2680] =	vst v2;
	(pc) =	sbr.rel .LBB2_9-.Ltmp6, $4  }
0x100: {  	[hbm4b:s31+s2] =	stream.linear.scatter [tilespmem:s26], [sflag:$0x1], $0x10, $0x38;
	[tilespmem:$0x2700] =	vst v63  }
0x101: {  	_ =	swait.ge [sflag:s17], $0x10  }
0x102: {  	[sflag:s17] =	ssyncset.done $0x0  }
0x103: {  	s1 =	rddreg [dreg:$0x5];
	[sflag:s17] =	ssyncadd.s32 $0xFFFFFFF0  }
.LBB2_10:
0x104: {  	_ =	sfence.sel $0x180000  }
0x105: {  	[bflag:$0x0] =	sbarrier.arrive $0xFFFF  }
0x106: {  	_ =	strace $0x90000047  }
0x107: {  	s0 =	stileid.u32;
	[bflag:$0x2] =	sbarrier.arrive $0xFFFF  }
0x108: {  	p0 =	sne.s32 s0, $0x0;
	s0 =	rddreg [dreg:$0x1]  }
0x109: {  	s0 =	sadd.s32 @!p0 $0x100000, s0  }
0x10a: {  	[sflag:s0] =	ssyncadd.tile.s32 @!p0 $0x1;
	_ =	shalt  }
.Lfunc_end2:
_tile_overlayer_lowered:
.L_overlay_start_2:
0x10b: {  	(tag) =	ssettag $0x2  }
0x10c: {  	s0 =	rddreg [dreg:$0x0];
	s2 =	stileid.u32  }
0x10d: {  	s1 =	rddreg [dreg:$0x1];
	p0 =	sne.s32 s2, $0x0  }
0x10e: {  	s3 =	rddreg [dreg:$0x2];
	[bflag:$0x3] =	sbarrier.arrive $0xFFFF;
	s2 =	simm.s32 @!p0 $0x1C01  }
0x10f: {  	[timem:s3], [sflag:s2] =	dma.local @!p0 [hbm:s0], s1  }
0x110: {  	s0 =	simm.s32 @!p0 $0x1  }
0x111: {  	_ =	swait.ge @!p0 [sflag:s0], s1  }
0x112: {  	s1 =	ssub.s32 @!p0 $0x0, s1;
	[sflag:s0] =	ssyncset.done @!p0 $0x0  }
0x113: {  	[sflag:s0] =	ssyncadd.s32 @!p0 s1  }
0x114: {  	[bflag:$0x3] =	sbarrier.arrive $0xFFFF  }
0x115: {  	_ =	shalt  }

</sc_bundles>
